<compile_context>
chip_gen: v7x
topology: tpu7x:2x2x1
jax: 0.10.2.dev20260603
libtpu: 0.0.44.dev20260713+nightly
codegen_flags: <defaults>
</compile_context>

<pallas_src>
import jax
import jax.numpy as jnp
import numpy as np
from jax import lax
from jax.experimental import pallas as pl
from jax.experimental.pallas import tpu as pltpu
from jax.experimental.pallas import tpu_sc as plsc

_NUM_CLASSES = 1000
_SMOOTHING = 0.1
_BATCH = 16384

_NUM_WORKERS = 32
_ROWS = 32
_COLW = 512
_NCHUNKS = _BATCH // _COLW
_NBUF = 6
_LANES = 16
_GROUPS = _COLW // _LANES

_BASE = float(np.float32(_SMOOTHING / _NUM_CLASSES))
_PEAK = float(np.float32(np.float32(_BASE) + np.float32(1.0 - _SMOOTHING)))


def _sc_body(target_hbm, out_hbm, tgt_v, *rest):
    bufs = rest[:_NBUF]
    sems = rest[_NBUF:2 * _NBUF]
    tgt_sem = rest[2 * _NBUF]
    wid = lax.axis_index("s") * 2 + lax.axis_index("c")
    r0 = jnp.minimum(wid * _ROWS, _NUM_CLASSES - _ROWS)

    base_vec = jnp.full((_LANES,), _BASE, jnp.float32)
    peak_vec = jnp.full((_LANES,), _PEAK, jnp.float32)
    lane_iota = lax.broadcasted_iota(jnp.int32, (_LANES,), 0)

    tgt_cp = pltpu.async_copy(target_hbm, tgt_v, tgt_sem)

    def fill_row(r, _):
        def fill_grp(g, _):
            for b in bufs:
                b[r, pl.ds(g * _LANES, _LANES)] = base_vec
            return 0
        lax.fori_loop(0, _GROUPS, fill_grp, 0)
        return 0

    lax.fori_loop(0, _ROWS, fill_row, 0)
    tgt_cp.wait()

    def poke_grp(c, buf, g, value_vec):
        t = tgt_v[pl.ds(c * _COLW + g * _LANES, _LANES)]
        rows = t - r0
        mask = plsc.bitcast(rows, jnp.uint32) < jnp.uint32(_ROWS)
        plsc.store_scatter(buf, [rows, lane_iota + g * _LANES], value_vec,
                           mask=mask)

    def scatter_chunk(c, buf, value_vec):
        def grp(g, _):
            poke_grp(c, buf, g, value_vec)
            return 0
        lax.fori_loop(0, _GROUPS, grp, 0)

    def restore_and_poke(c, buf):
        def grp(g, _):
            poke_grp(c - _NBUF, buf, g, base_vec)
            poke_grp(c, buf, g, peak_vec)
            return 0
        lax.fori_loop(0, _GROUPS, grp, 0)

    def fire(c, slot):
        pltpu.async_copy(
            bufs[slot], out_hbm.at[pl.ds(r0, _ROWS), pl.ds(c * _COLW, _COLW)],
            sems[slot])

    def drain(slot):
        pltpu.make_async_copy(
            bufs[slot], out_hbm.at[pl.ds(r0, _ROWS), pl.ds(0, _COLW)],
            sems[slot]).wait()

    for c in range(_NBUF):
        scatter_chunk(c, bufs[c], peak_vec)
        fire(c, c)

    _ROUNDS = (_NCHUNKS - _NBUF) // _NBUF

    def round_body(r, _):
        for b in range(_NBUF):
            c = _NBUF + r * _NBUF + b
            drain(b)
            restore_and_poke(c, bufs[b])
            fire(c, b)
        return 0

    lax.fori_loop(0, _ROUNDS, round_body, 0)

    for c in range(_NBUF + _ROUNDS * _NBUF, _NCHUNKS):
        slot = c % _NBUF
        drain(slot)
        restore_and_poke(c, bufs[slot])
        fire(c, slot)

    for slot in range(_NBUF):
        drain(slot)


@jax.jit
def _sc_call(target):
    mesh = plsc.VectorSubcoreMesh(core_axis_name="c", subcore_axis_name="s")
    q_t = pl.kernel(
        _sc_body,
        mesh=mesh,
        compiler_params=pltpu.CompilerParams(needs_layout_passes=False),
        out_type=jax.ShapeDtypeStruct((_NUM_CLASSES, _BATCH), jnp.float32),
        scratch_types=[
            pltpu.VMEM((_BATCH,), jnp.int32),
        ] + [pltpu.VMEM((_ROWS, _COLW), jnp.float32)] * _NBUF
          + [pltpu.SemaphoreType.DMA] * (_NBUF + 1),
    )(target)
    return q_t.T


def kernel(target, pred):
    del pred
    return _sc_call(target)

# --- scband reference (transcript-rebuilt; emitter-appended) ---
"""Pipeline reference for scband-label-smoothing-33414845563708 (READ-ONLY COPY).

The authoritative reference and input builder live on the scoring server;
editing this copy changes nothing except your own understanding.
"""

import jax, jax.numpy as jnp
import numpy as np

NUM_CLASSES = 1000
SMOOTHING = 0.1


def setup_inputs(seed: int = 0) -> dict:
    key = jax.random.key(seed)
    k1, k2 = jax.random.split(key)
    target = jax.random.randint(k1, (16384,), 0, NUM_CLASSES, dtype=jnp.int64 if jax.config.jax_enable_x64 else jnp.int32).astype(jnp.int32)
    pred = jax.random.normal(k2, (16384, NUM_CLASSES), dtype=jnp.float32)
    return {"target": target, "pred": pred}


def reference(target, pred):
    # Faithful translation of LabelSmoothing.forward:
    # q = full(smoothing/k); q.scatter_(1, target.unsqueeze(1), confidence, reduce='add')
    batch_size = target.shape[0]
    confidence = 1.0 - SMOOTHING
    q = jnp.zeros_like(pred) + (SMOOTHING / NUM_CLASSES)
    rows = jnp.arange(batch_size)
    q = q.at[rows, target].add(confidence)
    return q

if __name__ == "__main__":
    import jax
    _d = setup_inputs()
    print(jax.jit(kernel)(*tuple(_d.values())))

</pallas_src>

<mosaic_0001>
#map = affine_map<(d0, d1) -> (0)>
#map1 = affine_map<(d0, d1) -> (0, 0)>
module attributes {stable_mosaic.version = 14 : i64} {
  func.func @_sc_body(%arg0: i32, %arg1: i32, %arg2: memref<16384xi32, #tpu.memory_space<hbm>>, %arg3: memref<1000x16384xf32, #tpu.memory_space<hbm>>, %arg4: memref<16384xi32, #tpu.memory_space<vmem>>, %arg5: memref<32x512xf32, #tpu.memory_space<vmem>>, %arg6: memref<32x512xf32, #tpu.memory_space<vmem>>, %arg7: memref<32x512xf32, #tpu.memory_space<vmem>>, %arg8: memref<32x512xf32, #tpu.memory_space<vmem>>, %arg9: memref<32x512xf32, #tpu.memory_space<vmem>>, %arg10: memref<32x512xf32, #tpu.memory_space<vmem>>, %arg11: memref<!tpu.dma_semaphore, #tpu.memory_space<semaphore_mem>>, %arg12: memref<!tpu.dma_semaphore, #tpu.memory_space<semaphore_mem>>, %arg13: memref<!tpu.dma_semaphore, #tpu.memory_space<semaphore_mem>>, %arg14: memref<!tpu.dma_semaphore, #tpu.memory_space<semaphore_mem>>, %arg15: memref<!tpu.dma_semaphore, #tpu.memory_space<semaphore_mem>>, %arg16: memref<!tpu.dma_semaphore, #tpu.memory_space<semaphore_mem>>, %arg17: memref<!tpu.dma_semaphore, #tpu.memory_space<semaphore_mem>>) attributes {dimension_semantics = [#tpu.dimension_semantics<core_parallel>, #tpu.dimension_semantics<subcore_parallel>], iteration_bounds = array<i64: 2, 16>, scalar_prefetch = 0 : i64, scratch_operands = 14 : i64, tpu.core_type = #tpu.core_type<sc_vector_subcore>, window_params = [{transform_indices = #map}, {transform_indices = #map1}]} {
    %mul3A = arith.constant 2 : i32
    %mul3A_0 = arith.muli %arg1, %mul3A : i32
    %add3A = arith.addi %mul3A_0, %arg0 : i32
    %mul3A_1 = arith.constant 32 : i32
    %mul3A_2 = arith.muli %add3A, %mul3A_1 : i32
    %min3A = arith.constant 968 : i32
    %min3A_3 = arith.minsi %mul3A_2, %min3A : i32
    %broadcast_in_dim3A = arith.constant 9.99999974E-5 : f32
    %broadcast_in_dim3A_4 = vector.broadcast %broadcast_in_dim3A : f32 to vector<16xf32>
    %broadcast_in_dim3A_5 = arith.constant 9.001000e-01 : f32
    %broadcast_in_dim3A_6 = vector.broadcast %broadcast_in_dim3A_5 : f32 to vector<16xf32>
    %iota3A = tpu.iota {dimensions = array<i32: 0>} : vector<16xi32>
    tpu.enqueue_dma source(%arg2 : memref<16384xi32, #tpu.memory_space<hbm>>) target(%arg4 : memref<16384xi32, #tpu.memory_space<vmem>>) target_semaphore(%arg17 : memref<!tpu.dma_semaphore, #tpu.memory_space<semaphore_mem>>)
    %scan3A = arith.constant 0 : i32
    %scan3A_7 = arith.constant 0 : i32
    %scan3A_8 = arith.constant 32 : i32
    %scan3A_9 = arith.addi %scan3A_7, %scan3A_8 : i32
    %scan3A_10 = arith.constant 1 : i32
    %scan3A_11 = scf.for %scan3A_138 = %scan3A_7 to %scan3A_9 step %scan3A_10 iter_args(%scan3A_139 = %scan3A) -> (i32)  : i32 {
      %scan3A_140 = arith.constant 0 : i32
      %scan3A_141 = arith.constant 0 : i32
      %scan3A_142 = arith.constant 32 : i32
      %scan3A_143 = arith.addi %scan3A_141, %scan3A_142 : i32
      %scan3A_144 = arith.constant 1 : i32
      %scan3A_145 = scf.for %scan3A_148 = %scan3A_141 to %scan3A_143 step %scan3A_144 iter_args(%scan3A_149 = %scan3A_140) -> (i32)  : i32 {
        %mul3A_150 = arith.constant 16 : i32
        %mul3A_151 = arith.muli %scan3A_148, %mul3A_150 : i32
        %swap3A = arith.index_cast %scan3A_138 : i32 to index
        %swap3A_152 = arith.index_cast %mul3A_151 : i32 to index
        %swap3A_153 = tpu.vector_load %arg5[%swap3A, %swap3A_152] {strides = array<i32>} : memref<32x512xf32, #tpu.memory_space<vmem>>, vector<16xf32>,
        tpu.vector_store %arg5[%swap3A, %swap3A_152], %broadcast_in_dim3A_4 {strides = array<i32>} : memref<32x512xf32, #tpu.memory_space<vmem>>, vector<16xf32>,
        %mul3A_154 = arith.constant 16 : i32
        %mul3A_155 = arith.muli %scan3A_148, %mul3A_154 : i32
        %swap3A_156 = arith.index_cast %scan3A_138 : i32 to index
        %swap3A_157 = arith.index_cast %mul3A_155 : i32 to index
        %swap3A_158 = tpu.vector_load %arg6[%swap3A_156, %swap3A_157] {strides = array<i32>} : memref<32x512xf32, #tpu.memory_space<vmem>>, vector<16xf32>,
        tpu.vector_store %arg6[%swap3A_156, %swap3A_157], %broadcast_in_dim3A_4 {strides = array<i32>} : memref<32x512xf32, #tpu.memory_space<vmem>>, vector<16xf32>,
        %mul3A_159 = arith.constant 16 : i32
        %mul3A_160 = arith.muli %scan3A_148, %mul3A_159 : i32
        %swap3A_161 = arith.index_cast %scan3A_138 : i32 to index
        %swap3A_162 = arith.index_cast %mul3A_160 : i32 to index
        %swap3A_163 = tpu.vector_load %arg7[%swap3A_161, %swap3A_162] {strides = array<i32>} : memref<32x512xf32, #tpu.memory_space<vmem>>, vector<16xf32>,
        tpu.vector_store %arg7[%swap3A_161, %swap3A_162], %broadcast_in_dim3A_4 {strides = array<i32>} : memref<32x512xf32, #tpu.memory_space<vmem>>, vector<16xf32>,
        %mul3A_164 = arith.constant 16 : i32
        %mul3A_165 = arith.muli %scan3A_148, %mul3A_164 : i32
        %swap3A_166 = arith.index_cast %scan3A_138 : i32 to index
        %swap3A_167 = arith.index_cast %mul3A_165 : i32 to index
        %swap3A_168 = tpu.vector_load %arg8[%swap3A_166, %swap3A_167] {strides = array<i32>} : memref<32x512xf32, #tpu.memory_space<vmem>>, vector<16xf32>,
        tpu.vector_store %arg8[%swap3A_166, %swap3A_167], %broadcast_in_dim3A_4 {strides = array<i32>} : memref<32x512xf32, #tpu.memory_space<vmem>>, vector<16xf32>,
        %mul3A_169 = arith.constant 16 : i32
        %mul3A_170 = arith.muli %scan3A_148, %mul3A_169 : i32
        %swap3A_171 = arith.index_cast %scan3A_138 : i32 to index
        %swap3A_172 = arith.index_cast %mul3A_170 : i32 to index
        %swap3A_173 = tpu.vector_load %arg9[%swap3A_171, %swap3A_172] {strides = array<i32>} : memref<32x512xf32, #tpu.memory_space<vmem>>, vector<16xf32>,
        tpu.vector_store %arg9[%swap3A_171, %swap3A_172], %broadcast_in_dim3A_4 {strides = array<i32>} : memref<32x512xf32, #tpu.memory_space<vmem>>, vector<16xf32>,
        %mul3A_174 = arith.constant 16 : i32
        %mul3A_175 = arith.muli %scan3A_148, %mul3A_174 : i32
        %swap3A_176 = arith.index_cast %scan3A_138 : i32 to index
        %swap3A_177 = arith.index_cast %mul3A_175 : i32 to index
        %swap3A_178 = tpu.vector_load %arg10[%swap3A_176, %swap3A_177] {strides = array<i32>} : memref<32x512xf32, #tpu.memory_space<vmem>>, vector<16xf32>,
        tpu.vector_store %arg10[%swap3A_176, %swap3A_177], %broadcast_in_dim3A_4 {strides = array<i32>} : memref<32x512xf32, #tpu.memory_space<vmem>>, vector<16xf32>,
        %scan3A_179 = arith.constant 0 : i32
        scf.yield %scan3A_179 : i32
      }
      %scan3A_146 = arith.constant 32 : i32
      %scan3A_147 = arith.constant 0 : i32
      scf.yield %scan3A_147 : i32
    }
    %scan3A_12 = arith.constant 32 : i32
    tpu.wait_dma2 semaphore(%arg17 : memref<!tpu.dma_semaphore, #tpu.memory_space<semaphore_mem>>) src(%arg2 : memref<16384xi32, #tpu.memory_space<hbm>>) dst(%arg4 : memref<16384xi32, #tpu.memory_space<vmem>>)
    %scan3A_13 = arith.constant 0 : i32
    %scan3A_14 = arith.constant 0 : i32
    %scan3A_15 = arith.constant 32 : i32
    %scan3A_16 = arith.addi %scan3A_14, %scan3A_15 : i32
    %scan3A_17 = arith.constant 1 : i32
    %scan3A_18 = scf.for %scan3A_138 = %scan3A_14 to %scan3A_16 step %scan3A_17 iter_args(%scan3A_139 = %scan3A_13) -> (i32)  : i32 {
      %mul3A_140 = arith.constant 16 : i32
      %mul3A_141 = arith.muli %scan3A_138, %mul3A_140 : i32
      %add3A_142 = arith.constant 0 : i32
      %add3A_143 = arith.addi %add3A_142, %mul3A_141 : i32
      %get3A = arith.index_cast %add3A_143 : i32 to index
      %get3A_144 = tpu.vector_load %arg4[%get3A] {strides = array<i32>} : memref<16384xi32, #tpu.memory_space<vmem>>, vector<16xi32>,
      %sub3A = vector.broadcast %min3A_3 : i32 to vector<16xi32>
      %sub3A_145 = arith.subi %get3A_144, %sub3A : vector<16xi32>
      %bitcast3A = vector.bitcast %sub3A_145 : vector<16xi32> to vector<16xi32>
      %lt3A = arith.constant 32 : i32
      %lt3A_146 = vector.broadcast %lt3A : i32 to vector<16xi32>
      %lt3A_147 = arith.cmpi ult, %bitcast3A, %lt3A_146 : vector<16xi32>
      %mul3A_148 = arith.constant 16 : i32
      %mul3A_149 = arith.muli %scan3A_138, %mul3A_148 : i32
      %add3A_150 = vector.broadcast %mul3A_149 : i32 to vector<16xi32>
      %add3A_151 = arith.addi %iota3A, %add3A_150 : vector<16xi32>
      tpu.vector_store_idx %arg5[%sub3A_145, %add3A_151], %broadcast_in_dim3A_6 masked %lt3A_147 : memref<32x512xf32, #tpu.memory_space<vmem>>[vector<16xi32>, vector<16xi32>], vector<16xf32>, vector<16xi1>
      %scan3A_152 = arith.constant 0 : i32
      scf.yield %scan3A_152 : i32
    }
    %scan3A_19 = arith.constant 32 : i32
    %dma_start3A = arith.constant 0 : i32
    %dma_start3A_20 = tpu.memref_slice %arg3[%min3A_3, %dma_start3A] : memref<1000x16384xf32, #tpu.memory_space<hbm>> -> memref<32x512xf32, #tpu.memory_space<hbm>>
    %dma_start3A_21 = arith.constant 0 : i32
    %dma_start3A_22 = tpu.memref_slice %arg3[%min3A_3, %dma_start3A_21] : memref<1000x16384xf32, #tpu.memory_space<hbm>> -> memref<32x512xf32, #tpu.memory_space<hbm>>
    tpu.enqueue_dma source(%arg5 : memref<32x512xf32, #tpu.memory_space<vmem>>) target(%dma_start3A_22 : memref<32x512xf32, #tpu.memory_space<hbm>>) target_semaphore(%arg11 : memref<!tpu.dma_semaphore, #tpu.memory_space<semaphore_mem>>)
    %scan3A_23 = arith.constant 0 : i32
    %scan3A_24 = arith.constant 0 : i32
    %scan3A_25 = arith.constant 32 : i32
    %scan3A_26 = arith.addi %scan3A_24, %scan3A_25 : i32
    %scan3A_27 = arith.constant 1 : i32
    %scan3A_28 = scf.for %scan3A_138 = %scan3A_24 to %scan3A_26 step %scan3A_27 iter_args(%scan3A_139 = %scan3A_23) -> (i32)  : i32 {
      %mul3A_140 = arith.constant 16 : i32
      %mul3A_141 = arith.muli %scan3A_138, %mul3A_140 : i32
      %add3A_142 = arith.constant 512 : i32
      %add3A_143 = arith.addi %add3A_142, %mul3A_141 : i32
      %get3A = arith.index_cast %add3A_143 : i32 to index
      %get3A_144 = tpu.vector_load %arg4[%get3A] {strides = array<i32>} : memref<16384xi32, #tpu.memory_space<vmem>>, vector<16xi32>,
      %sub3A = vector.broadcast %min3A_3 : i32 to vector<16xi32>
      %sub3A_145 = arith.subi %get3A_144, %sub3A : vector<16xi32>
      %bitcast3A = vector.bitcast %sub3A_145 : vector<16xi32> to vector<16xi32>
      %lt3A = arith.constant 32 : i32
      %lt3A_146 = vector.broadcast %lt3A : i32 to vector<16xi32>
      %lt3A_147 = arith.cmpi ult, %bitcast3A, %lt3A_146 : vector<16xi32>
      %mul3A_148 = arith.constant 16 : i32
      %mul3A_149 = arith.muli %scan3A_138, %mul3A_148 : i32
      %add3A_150 = vector.broadcast %mul3A_149 : i32 to vector<16xi32>
      %add3A_151 = arith.addi %iota3A, %add3A_150 : vector<16xi32>
      tpu.vector_store_idx %arg6[%sub3A_145, %add3A_151], %broadcast_in_dim3A_6 masked %lt3A_147 : memref<32x512xf32, #tpu.memory_space<vmem>>[vector<16xi32>, vector<16xi32>], vector<16xf32>, vector<16xi1>
      %scan3A_152 = arith.constant 0 : i32
      scf.yield %scan3A_152 : i32
    }
    %scan3A_29 = arith.constant 32 : i32
    %dma_start3A_30 = arith.constant 512 : i32
    %dma_start3A_31 = tpu.memref_slice %arg3[%min3A_3, %dma_start3A_30] : memref<1000x16384xf32, #tpu.memory_space<hbm>> -> memref<32x512xf32, #tpu.memory_space<hbm>>
    %dma_start3A_32 = arith.constant 512 : i32
    %dma_start3A_33 = tpu.memref_slice %arg3[%min3A_3, %dma_start3A_32] : memref<1000x16384xf32, #tpu.memory_space<hbm>> -> memref<32x512xf32, #tpu.memory_space<hbm>>
    tpu.enqueue_dma source(%arg6 : memref<32x512xf32, #tpu.memory_space<vmem>>) target(%dma_start3A_33 : memref<32x512xf32, #tpu.memory_space<hbm>>) target_semaphore(%arg12 : memref<!tpu.dma_semaphore, #tpu.memory_space<semaphore_mem>>)
    %scan3A_34 = arith.constant 0 : i32
    %scan3A_35 = arith.constant 0 : i32
    %scan3A_36 = arith.constant 32 : i32
    %scan3A_37 = arith.addi %scan3A_35, %scan3A_36 : i32
    %scan3A_38 = arith.constant 1 : i32
    %scan3A_39 = scf.for %scan3A_138 = %scan3A_35 to %scan3A_37 step %scan3A_38 iter_args(%scan3A_139 = %scan3A_34) -> (i32)  : i32 {
      %mul3A_140 = arith.constant 16 : i32
      %mul3A_141 = arith.muli %scan3A_138, %mul3A_140 : i32
      %add3A_142 = arith.constant 1024 : i32
      %add3A_143 = arith.addi %add3A_142, %mul3A_141 : i32
      %get3A = arith.index_cast %add3A_143 : i32 to index
      %get3A_144 = tpu.vector_load %arg4[%get3A] {strides = array<i32>} : memref<16384xi32, #tpu.memory_space<vmem>>, vector<16xi32>,
      %sub3A = vector.broadcast %min3A_3 : i32 to vector<16xi32>
      %sub3A_145 = arith.subi %get3A_144, %sub3A : vector<16xi32>
      %bitcast3A = vector.bitcast %sub3A_145 : vector<16xi32> to vector<16xi32>
      %lt3A = arith.constant 32 : i32
      %lt3A_146 = vector.broadcast %lt3A : i32 to vector<16xi32>
      %lt3A_147 = arith.cmpi ult, %bitcast3A, %lt3A_146 : vector<16xi32>
      %mul3A_148 = arith.constant 16 : i32
      %mul3A_149 = arith.muli %scan3A_138, %mul3A_148 : i32
      %add3A_150 = vector.broadcast %mul3A_149 : i32 to vector<16xi32>
      %add3A_151 = arith.addi %iota3A, %add3A_150 : vector<16xi32>
      tpu.vector_store_idx %arg7[%sub3A_145, %add3A_151], %broadcast_in_dim3A_6 masked %lt3A_147 : memref<32x512xf32, #tpu.memory_space<vmem>>[vector<16xi32>, vector<16xi32>], vector<16xf32>, vector<16xi1>
      %scan3A_152 = arith.constant 0 : i32
      scf.yield %scan3A_152 : i32
    }
    %scan3A_40 = arith.constant 32 : i32
    %dma_start3A_41 = arith.constant 1024 : i32
    %dma_start3A_42 = tpu.memref_slice %arg3[%min3A_3, %dma_start3A_41] : memref<1000x16384xf32, #tpu.memory_space<hbm>> -> memref<32x512xf32, #tpu.memory_space<hbm>>
    %dma_start3A_43 = arith.constant 1024 : i32
    %dma_start3A_44 = tpu.memref_slice %arg3[%min3A_3, %dma_start3A_43] : memref<1000x16384xf32, #tpu.memory_space<hbm>> -> memref<32x512xf32, #tpu.memory_space<hbm>>
    tpu.enqueue_dma source(%arg7 : memref<32x512xf32, #tpu.memory_space<vmem>>) target(%dma_start3A_44 : memref<32x512xf32, #tpu.memory_space<hbm>>) target_semaphore(%arg13 : memref<!tpu.dma_semaphore, #tpu.memory_space<semaphore_mem>>)
    %scan3A_45 = arith.constant 0 : i32
    %scan3A_46 = arith.constant 0 : i32
    %scan3A_47 = arith.constant 32 : i32
    %scan3A_48 = arith.addi %scan3A_46, %scan3A_47 : i32
    %scan3A_49 = arith.constant 1 : i32
    %scan3A_50 = scf.for %scan3A_138 = %scan3A_46 to %scan3A_48 step %scan3A_49 iter_args(%scan3A_139 = %scan3A_45) -> (i32)  : i32 {
      %mul3A_140 = arith.constant 16 : i32
      %mul3A_141 = arith.muli %scan3A_138, %mul3A_140 : i32
      %add3A_142 = arith.constant 1536 : i32
      %add3A_143 = arith.addi %add3A_142, %mul3A_141 : i32
      %get3A = arith.index_cast %add3A_143 : i32 to index
      %get3A_144 = tpu.vector_load %arg4[%get3A] {strides = array<i32>} : memref<16384xi32, #tpu.memory_space<vmem>>, vector<16xi32>,
      %sub3A = vector.broadcast %min3A_3 : i32 to vector<16xi32>
      %sub3A_145 = arith.subi %get3A_144, %sub3A : vector<16xi32>
      %bitcast3A = vector.bitcast %sub3A_145 : vector<16xi32> to vector<16xi32>
      %lt3A = arith.constant 32 : i32
      %lt3A_146 = vector.broadcast %lt3A : i32 to vector<16xi32>
      %lt3A_147 = arith.cmpi ult, %bitcast3A, %lt3A_146 : vector<16xi32>
      %mul3A_148 = arith.constant 16 : i32
      %mul3A_149 = arith.muli %scan3A_138, %mul3A_148 : i32
      %add3A_150 = vector.broadcast %mul3A_149 : i32 to vector<16xi32>
      %add3A_151 = arith.addi %iota3A, %add3A_150 : vector<16xi32>
      tpu.vector_store_idx %arg8[%sub3A_145, %add3A_151], %broadcast_in_dim3A_6 masked %lt3A_147 : memref<32x512xf32, #tpu.memory_space<vmem>>[vector<16xi32>, vector<16xi32>], vector<16xf32>, vector<16xi1>
      %scan3A_152 = arith.constant 0 : i32
      scf.yield %scan3A_152 : i32
    }
    %scan3A_51 = arith.constant 32 : i32
    %dma_start3A_52 = arith.constant 1536 : i32
    %dma_start3A_53 = tpu.memref_slice %arg3[%min3A_3, %dma_start3A_52] : memref<1000x16384xf32, #tpu.memory_space<hbm>> -> memref<32x512xf32, #tpu.memory_space<hbm>>
    %dma_start3A_54 = arith.constant 1536 : i32
    %dma_start3A_55 = tpu.memref_slice %arg3[%min3A_3, %dma_start3A_54] : memref<1000x16384xf32, #tpu.memory_space<hbm>> -> memref<32x512xf32, #tpu.memory_space<hbm>>
    tpu.enqueue_dma source(%arg8 : memref<32x512xf32, #tpu.memory_space<vmem>>) target(%dma_start3A_55 : memref<32x512xf32, #tpu.memory_space<hbm>>) target_semaphore(%arg14 : memref<!tpu.dma_semaphore, #tpu.memory_space<semaphore_mem>>)
    %scan3A_56 = arith.constant 0 : i32
    %scan3A_57 = arith.constant 0 : i32
    %scan3A_58 = arith.constant 32 : i32
    %scan3A_59 = arith.addi %scan3A_57, %scan3A_58 : i32
    %scan3A_60 = arith.constant 1 : i32
    %scan3A_61 = scf.for %scan3A_138 = %scan3A_57 to %scan3A_59 step %scan3A_60 iter_args(%scan3A_139 = %scan3A_56) -> (i32)  : i32 {
      %mul3A_140 = arith.constant 16 : i32
      %mul3A_141 = arith.muli %scan3A_138, %mul3A_140 : i32
      %add3A_142 = arith.constant 2048 : i32
      %add3A_143 = arith.addi %add3A_142, %mul3A_141 : i32
      %get3A = arith.index_cast %add3A_143 : i32 to index
      %get3A_144 = tpu.vector_load %arg4[%get3A] {strides = array<i32>} : memref<16384xi32, #tpu.memory_space<vmem>>, vector<16xi32>,
      %sub3A = vector.broadcast %min3A_3 : i32 to vector<16xi32>
      %sub3A_145 = arith.subi %get3A_144, %sub3A : vector<16xi32>
      %bitcast3A = vector.bitcast %sub3A_145 : vector<16xi32> to vector<16xi32>
      %lt3A = arith.constant 32 : i32
      %lt3A_146 = vector.broadcast %lt3A : i32 to vector<16xi32>
      %lt3A_147 = arith.cmpi ult, %bitcast3A, %lt3A_146 : vector<16xi32>
      %mul3A_148 = arith.constant 16 : i32
      %mul3A_149 = arith.muli %scan3A_138, %mul3A_148 : i32
      %add3A_150 = vector.broadcast %mul3A_149 : i32 to vector<16xi32>
      %add3A_151 = arith.addi %iota3A, %add3A_150 : vector<16xi32>
      tpu.vector_store_idx %arg9[%sub3A_145, %add3A_151], %broadcast_in_dim3A_6 masked %lt3A_147 : memref<32x512xf32, #tpu.memory_space<vmem>>[vector<16xi32>, vector<16xi32>], vector<16xf32>, vector<16xi1>
      %scan3A_152 = arith.constant 0 : i32
      scf.yield %scan3A_152 : i32
    }
    %scan3A_62 = arith.constant 32 : i32
    %dma_start3A_63 = arith.constant 2048 : i32
    %dma_start3A_64 = tpu.memref_slice %arg3[%min3A_3, %dma_start3A_63] : memref<1000x16384xf32, #tpu.memory_space<hbm>> -> memref<32x512xf32, #tpu.memory_space<hbm>>
    %dma_start3A_65 = arith.constant 2048 : i32
    %dma_start3A_66 = tpu.memref_slice %arg3[%min3A_3, %dma_start3A_65] : memref<1000x16384xf32, #tpu.memory_space<hbm>> -> memref<32x512xf32, #tpu.memory_space<hbm>>
    tpu.enqueue_dma source(%arg9 : memref<32x512xf32, #tpu.memory_space<vmem>>) target(%dma_start3A_66 : memref<32x512xf32, #tpu.memory_space<hbm>>) target_semaphore(%arg15 : memref<!tpu.dma_semaphore, #tpu.memory_space<semaphore_mem>>)
    %scan3A_67 = arith.constant 0 : i32
    %scan3A_68 = arith.constant 0 : i32
    %scan3A_69 = arith.constant 32 : i32
    %scan3A_70 = arith.addi %scan3A_68, %scan3A_69 : i32
    %scan3A_71 = arith.constant 1 : i32
    %scan3A_72 = scf.for %scan3A_138 = %scan3A_68 to %scan3A_70 step %scan3A_71 iter_args(%scan3A_139 = %scan3A_67) -> (i32)  : i32 {
      %mul3A_140 = arith.constant 16 : i32
      %mul3A_141 = arith.muli %scan3A_138, %mul3A_140 : i32
      %add3A_142 = arith.constant 2560 : i32
      %add3A_143 = arith.addi %add3A_142, %mul3A_141 : i32
      %get3A = arith.index_cast %add3A_143 : i32 to index
      %get3A_144 = tpu.vector_load %arg4[%get3A] {strides = array<i32>} : memref<16384xi32, #tpu.memory_space<vmem>>, vector<16xi32>,
      %sub3A = vector.broadcast %min3A_3 : i32 to vector<16xi32>
      %sub3A_145 = arith.subi %get3A_144, %sub3A : vector<16xi32>
      %bitcast3A = vector.bitcast %sub3A_145 : vector<16xi32> to vector<16xi32>
      %lt3A = arith.constant 32 : i32
      %lt3A_146 = vector.broadcast %lt3A : i32 to vector<16xi32>
      %lt3A_147 = arith.cmpi ult, %bitcast3A, %lt3A_146 : vector<16xi32>
      %mul3A_148 = arith.constant 16 : i32
      %mul3A_149 = arith.muli %scan3A_138, %mul3A_148 : i32
      %add3A_150 = vector.broadcast %mul3A_149 : i32 to vector<16xi32>
      %add3A_151 = arith.addi %iota3A, %add3A_150 : vector<16xi32>
      tpu.vector_store_idx %arg10[%sub3A_145, %add3A_151], %broadcast_in_dim3A_6 masked %lt3A_147 : memref<32x512xf32, #tpu.memory_space<vmem>>[vector<16xi32>, vector<16xi32>], vector<16xf32>, vector<16xi1>
      %scan3A_152 = arith.constant 0 : i32
      scf.yield %scan3A_152 : i32
    }
    %scan3A_73 = arith.constant 32 : i32
    %dma_start3A_74 = arith.constant 2560 : i32
    %dma_start3A_75 = tpu.memref_slice %arg3[%min3A_3, %dma_start3A_74] : memref<1000x16384xf32, #tpu.memory_space<hbm>> -> memref<32x512xf32, #tpu.memory_space<hbm>>
    %dma_start3A_76 = arith.constant 2560 : i32
    %dma_start3A_77 = tpu.memref_slice %arg3[%min3A_3, %dma_start3A_76] : memref<1000x16384xf32, #tpu.memory_space<hbm>> -> memref<32x512xf32, #tpu.memory_space<hbm>>
    tpu.enqueue_dma source(%arg10 : memref<32x512xf32, #tpu.memory_space<vmem>>) target(%dma_start3A_77 : memref<32x512xf32, #tpu.memory_space<hbm>>) target_semaphore(%arg16 : memref<!tpu.dma_semaphore, #tpu.memory_space<semaphore_mem>>)
    %scan3A_78 = arith.constant 0 : i32
    %scan3A_79 = arith.constant 0 : i32
    %scan3A_80 = arith.constant 4 : i32
    %scan3A_81 = arith.addi %scan3A_79, %scan3A_80 : i32
    %scan3A_82 = arith.constant 1 : i32
    %scan3A_83 = scf.for %scan3A_138 = %scan3A_79 to %scan3A_81 step %scan3A_82 iter_args(%scan3A_139 = %scan3A_78) -> (i32)  : i32 {
      %mul3A_140 = arith.constant 6 : i32
      %mul3A_141 = arith.muli %scan3A_138, %mul3A_140 : i32
      %add3A_142 = arith.constant 6 : i32
      %add3A_143 = arith.addi %add3A_142, %mul3A_141 : i32
      %add3A_144 = arith.constant 0 : i32
      %add3A_145 = arith.addi %add3A_143, %add3A_144 : i32
      %dma_wait3A_146 = arith.constant 0 : i32
      %dma_wait3A_147 = tpu.memref_slice %arg3[%min3A_3, %dma_wait3A_146] : memref<1000x16384xf32, #tpu.memory_space<hbm>> -> memref<32x512xf32, #tpu.memory_space<hbm>>
      %dma_wait3A_148 = arith.constant 0 : i32
      %dma_wait3A_149 = tpu.memref_slice %arg3[%min3A_3, %dma_wait3A_148] : memref<1000x16384xf32, #tpu.memory_space<hbm>> -> memref<32x512xf32, #tpu.memory_space<hbm>>
      tpu.wait_dma2 semaphore(%arg11 : memref<!tpu.dma_semaphore, #tpu.memory_space<semaphore_mem>>) src(%arg5 : memref<32x512xf32, #tpu.memory_space<vmem>>) dst(%dma_wait3A_149 : memref<32x512xf32, #tpu.memory_space<hbm>>)
      %scan3A_150 = arith.constant 0 : i32
      %scan3A_151 = arith.constant 0 : i32
      %scan3A_152 = arith.constant 32 : i32
      %scan3A_153 = arith.addi %scan3A_151, %scan3A_152 : i32
      %scan3A_154 = arith.constant 1 : i32
      %scan3A_155 = scf.for %scan3A_267 = %scan3A_151 to %scan3A_153 step %scan3A_154 iter_args(%scan3A_268 = %scan3A_150) -> (i32)  : i32 {
        %sub3A = arith.constant 6 : i32
        %sub3A_269 = arith.subi %add3A_145, %sub3A : i32
        %mul3A_270 = arith.constant 512 : i32
        %mul3A_271 = arith.muli %sub3A_269, %mul3A_270 : i32
        %mul3A_272 = arith.constant 16 : i32
        %mul3A_273 = arith.muli %scan3A_267, %mul3A_272 : i32
        %add3A_274 = arith.addi %mul3A_271, %mul3A_273 : i32
        %get3A = arith.index_cast %add3A_274 : i32 to index
        %get3A_275 = tpu.vector_load %arg4[%get3A] {strides = array<i32>} : memref<16384xi32, #tpu.memory_space<vmem>>, vector<16xi32>,
        %sub3A_276 = vector.broadcast %min3A_3 : i32 to vector<16xi32>
        %sub3A_277 = arith.subi %get3A_275, %sub3A_276 : vector<16xi32>
        %bitcast3A = vector.bitcast %sub3A_277 : vector<16xi32> to vector<16xi32>
        %lt3A = arith.constant 32 : i32
        %lt3A_278 = vector.broadcast %lt3A : i32 to vector<16xi32>
        %lt3A_279 = arith.cmpi ult, %bitcast3A, %lt3A_278 : vector<16xi32>
        %mul3A_280 = arith.constant 16 : i32
        %mul3A_281 = arith.muli %scan3A_267, %mul3A_280 : i32
        %add3A_282 = vector.broadcast %mul3A_281 : i32 to vector<16xi32>
        %add3A_283 = arith.addi %iota3A, %add3A_282 : vector<16xi32>
        tpu.vector_store_idx %arg5[%sub3A_277, %add3A_283], %broadcast_in_dim3A_4 masked %lt3A_279 : memref<32x512xf32, #tpu.memory_space<vmem>>[vector<16xi32>, vector<16xi32>], vector<16xf32>, vector<16xi1>
        %mul3A_284 = arith.constant 512 : i32
        %mul3A_285 = arith.muli %add3A_145, %mul3A_284 : i32
        %mul3A_286 = arith.constant 16 : i32
        %mul3A_287 = arith.muli %scan3A_267, %mul3A_286 : i32
        %add3A_288 = arith.addi %mul3A_285, %mul3A_287 : i32
        %get3A_289 = arith.index_cast %add3A_288 : i32 to index
        %get3A_290 = tpu.vector_load %arg4[%get3A_289] {strides = array<i32>} : memref<16384xi32, #tpu.memory_space<vmem>>, vector<16xi32>,
        %sub3A_291 = vector.broadcast %min3A_3 : i32 to vector<16xi32>
        %sub3A_292 = arith.subi %get3A_290, %sub3A_291 : vector<16xi32>
        %bitcast3A_293 = vector.bitcast %sub3A_292 : vector<16xi32> to vector<16xi32>
        %lt3A_294 = arith.constant 32 : i32
        %lt3A_295 = vector.broadcast %lt3A_294 : i32 to vector<16xi32>
        %lt3A_296 = arith.cmpi ult, %bitcast3A_293, %lt3A_295 : vector<16xi32>
        %mul3A_297 = arith.constant 16 : i32
        %mul3A_298 = arith.muli %scan3A_267, %mul3A_297 : i32
        %add3A_299 = vector.broadcast %mul3A_298 : i32 to vector<16xi32>
        %add3A_300 = arith.addi %iota3A, %add3A_299 : vector<16xi32>
        tpu.vector_store_idx %arg5[%sub3A_292, %add3A_300], %broadcast_in_dim3A_6 masked %lt3A_296 : memref<32x512xf32, #tpu.memory_space<vmem>>[vector<16xi32>, vector<16xi32>], vector<16xf32>, vector<16xi1>
        %scan3A_301 = arith.constant 0 : i32
        scf.yield %scan3A_301 : i32
      }
      %scan3A_156 = arith.constant 32 : i32
      %mul3A_157 = arith.constant 512 : i32
      %mul3A_158 = arith.muli %add3A_145, %mul3A_157 : i32
      %dma_start3A_159 = tpu.memref_slice %arg3[%min3A_3, %mul3A_158] : memref<1000x16384xf32, #tpu.memory_space<hbm>> -> memref<32x512xf32, #tpu.memory_space<hbm>>
      %dma_start3A_160 = tpu.memref_slice %arg3[%min3A_3, %mul3A_158] : memref<1000x16384xf32, #tpu.memory_space<hbm>> -> memref<32x512xf32, #tpu.memory_space<hbm>>
      tpu.enqueue_dma source(%arg5 : memref<32x512xf32, #tpu.memory_space<vmem>>) target(%dma_start3A_160 : memref<32x512xf32, #tpu.memory_space<hbm>>) target_semaphore(%arg11 : memref<!tpu.dma_semaphore, #tpu.memory_space<semaphore_mem>>)
      %mul3A_161 = arith.constant 6 : i32
      %mul3A_162 = arith.muli %scan3A_138, %mul3A_161 : i32
      %add3A_163 = arith.constant 6 : i32
      %add3A_164 = arith.addi %add3A_163, %mul3A_162 : i32
      %add3A_165 = arith.constant 1 : i32
      %add3A_166 = arith.addi %add3A_164, %add3A_165 : i32
      %dma_wait3A_167 = arith.constant 0 : i32
      %dma_wait3A_168 = tpu.memref_slice %arg3[%min3A_3, %dma_wait3A_167] : memref<1000x16384xf32, #tpu.memory_space<hbm>> -> memref<32x512xf32, #tpu.memory_space<hbm>>
      %dma_wait3A_169 = arith.constant 0 : i32
      %dma_wait3A_170 = tpu.memref_slice %arg3[%min3A_3, %dma_wait3A_169] : memref<1000x16384xf32, #tpu.memory_space<hbm>> -> memref<32x512xf32, #tpu.memory_space<hbm>>
      tpu.wait_dma2 semaphore(%arg12 : memref<!tpu.dma_semaphore, #tpu.memory_space<semaphore_mem>>) src(%arg6 : memref<32x512xf32, #tpu.memory_space<vmem>>) dst(%dma_wait3A_170 : memref<32x512xf32, #tpu.memory_space<hbm>>)
      %scan3A_171 = arith.constant 0 : i32
      %scan3A_172 = arith.constant 0 : i32
      %scan3A_173 = arith.constant 32 : i32
      %scan3A_174 = arith.addi %scan3A_172, %scan3A_173 : i32
      %scan3A_175 = arith.constant 1 : i32
      %scan3A_176 = scf.for %scan3A_267 = %scan3A_172 to %scan3A_174 step %scan3A_175 iter_args(%scan3A_268 = %scan3A_171) -> (i32)  : i32 {
        %sub3A = arith.constant 6 : i32
        %sub3A_269 = arith.subi %add3A_166, %sub3A : i32
        %mul3A_270 = arith.constant 512 : i32
        %mul3A_271 = arith.muli %sub3A_269, %mul3A_270 : i32
        %mul3A_272 = arith.constant 16 : i32
        %mul3A_273 = arith.muli %scan3A_267, %mul3A_272 : i32
        %add3A_274 = arith.addi %mul3A_271, %mul3A_273 : i32
        %get3A = arith.index_cast %add3A_274 : i32 to index
        %get3A_275 = tpu.vector_load %arg4[%get3A] {strides = array<i32>} : memref<16384xi32, #tpu.memory_space<vmem>>, vector<16xi32>,
        %sub3A_276 = vector.broadcast %min3A_3 : i32 to vector<16xi32>
        %sub3A_277 = arith.subi %get3A_275, %sub3A_276 : vector<16xi32>
        %bitcast3A = vector.bitcast %sub3A_277 : vector<16xi32> to vector<16xi32>
        %lt3A = arith.constant 32 : i32
        %lt3A_278 = vector.broadcast %lt3A : i32 to vector<16xi32>
        %lt3A_279 = arith.cmpi ult, %bitcast3A, %lt3A_278 : vector<16xi32>
        %mul3A_280 = arith.constant 16 : i32
        %mul3A_281 = arith.muli %scan3A_267, %mul3A_280 : i32
        %add3A_282 = vector.broadcast %mul3A_281 : i32 to vector<16xi32>
        %add3A_283 = arith.addi %iota3A, %add3A_282 : vector<16xi32>
        tpu.vector_store_idx %arg6[%sub3A_277, %add3A_283], %broadcast_in_dim3A_4 masked %lt3A_279 : memref<32x512xf32, #tpu.memory_space<vmem>>[vector<16xi32>, vector<16xi32>], vector<16xf32>, vector<16xi1>
        %mul3A_284 = arith.constant 512 : i32
        %mul3A_285 = arith.muli %add3A_166, %mul3A_284 : i32
        %mul3A_286 = arith.constant 16 : i32
        %mul3A_287 = arith.muli %scan3A_267, %mul3A_286 : i32
        %add3A_288 = arith.addi %mul3A_285, %mul3A_287 : i32
        %get3A_289 = arith.index_cast %add3A_288 : i32 to index
        %get3A_290 = tpu.vector_load %arg4[%get3A_289] {strides = array<i32>} : memref<16384xi32, #tpu.memory_space<vmem>>, vector<16xi32>,
        %sub3A_291 = vector.broadcast %min3A_3 : i32 to vector<16xi32>
        %sub3A_292 = arith.subi %get3A_290, %sub3A_291 : vector<16xi32>
        %bitcast3A_293 = vector.bitcast %sub3A_292 : vector<16xi32> to vector<16xi32>
        %lt3A_294 = arith.constant 32 : i32
        %lt3A_295 = vector.broadcast %lt3A_294 : i32 to vector<16xi32>
        %lt3A_296 = arith.cmpi ult, %bitcast3A_293, %lt3A_295 : vector<16xi32>
        %mul3A_297 = arith.constant 16 : i32
        %mul3A_298 = arith.muli %scan3A_267, %mul3A_297 : i32
        %add3A_299 = vector.broadcast %mul3A_298 : i32 to vector<16xi32>
        %add3A_300 = arith.addi %iota3A, %add3A_299 : vector<16xi32>
        tpu.vector_store_idx %arg6[%sub3A_292, %add3A_300], %broadcast_in_dim3A_6 masked %lt3A_296 : memref<32x512xf32, #tpu.memory_space<vmem>>[vector<16xi32>, vector<16xi32>], vector<16xf32>, vector<16xi1>
        %scan3A_301 = arith.constant 0 : i32
        scf.yield %scan3A_301 : i32
      }
      %scan3A_177 = arith.constant 32 : i32
      %mul3A_178 = arith.constant 512 : i32
      %mul3A_179 = arith.muli %add3A_166, %mul3A_178 : i32
      %dma_start3A_180 = tpu.memref_slice %arg3[%min3A_3, %mul3A_179] : memref<1000x16384xf32, #tpu.memory_space<hbm>> -> memref<32x512xf32, #tpu.memory_space<hbm>>
      %dma_start3A_181 = tpu.memref_slice %arg3[%min3A_3, %mul3A_179] : memref<1000x16384xf32, #tpu.memory_space<hbm>> -> memref<32x512xf32, #tpu.memory_space<hbm>>
      tpu.enqueue_dma source(%arg6 : memref<32x512xf32, #tpu.memory_space<vmem>>) target(%dma_start3A_181 : memref<32x512xf32, #tpu.memory_space<hbm>>) target_semaphore(%arg12 : memref<!tpu.dma_semaphore, #tpu.memory_space<semaphore_mem>>)
      %mul3A_182 = arith.constant 6 : i32
      %mul3A_183 = arith.muli %scan3A_138, %mul3A_182 : i32
      %add3A_184 = arith.constant 6 : i32
      %add3A_185 = arith.addi %add3A_184, %mul3A_183 : i32
      %add3A_186 = arith.constant 2 : i32
      %add3A_187 = arith.addi %add3A_185, %add3A_186 : i32
      %dma_wait3A_188 = arith.constant 0 : i32
      %dma_wait3A_189 = tpu.memref_slice %arg3[%min3A_3, %dma_wait3A_188] : memref<1000x16384xf32, #tpu.memory_space<hbm>> -> memref<32x512xf32, #tpu.memory_space<hbm>>
      %dma_wait3A_190 = arith.constant 0 : i32
      %dma_wait3A_191 = tpu.memref_slice %arg3[%min3A_3, %dma_wait3A_190] : memref<1000x16384xf32, #tpu.memory_space<hbm>> -> memref<32x512xf32, #tpu.memory_space<hbm>>
      tpu.wait_dma2 semaphore(%arg13 : memref<!tpu.dma_semaphore, #tpu.memory_space<semaphore_mem>>) src(%arg7 : memref<32x512xf32, #tpu.memory_space<vmem>>) dst(%dma_wait3A_191 : memref<32x512xf32, #tpu.memory_space<hbm>>)
      %scan3A_192 = arith.constant 0 : i32
      %scan3A_193 = arith.constant 0 : i32
      %scan3A_194 = arith.constant 32 : i32
      %scan3A_195 = arith.addi %scan3A_193, %scan3A_194 : i32
      %scan3A_196 = arith.constant 1 : i32
      %scan3A_197 = scf.for %scan3A_267 = %scan3A_193 to %scan3A_195 step %scan3A_196 iter_args(%scan3A_268 = %scan3A_192) -> (i32)  : i32 {
        %sub3A = arith.constant 6 : i32
        %sub3A_269 = arith.subi %add3A_187, %sub3A : i32
        %mul3A_270 = arith.constant 512 : i32
        %mul3A_271 = arith.muli %sub3A_269, %mul3A_270 : i32
        %mul3A_272 = arith.constant 16 : i32
        %mul3A_273 = arith.muli %scan3A_267, %mul3A_272 : i32
        %add3A_274 = arith.addi %mul3A_271, %mul3A_273 : i32
        %get3A = arith.index_cast %add3A_274 : i32 to index
        %get3A_275 = tpu.vector_load %arg4[%get3A] {strides = array<i32>} : memref<16384xi32, #tpu.memory_space<vmem>>, vector<16xi32>,
        %sub3A_276 = vector.broadcast %min3A_3 : i32 to vector<16xi32>
        %sub3A_277 = arith.subi %get3A_275, %sub3A_276 : vector<16xi32>
        %bitcast3A = vector.bitcast %sub3A_277 : vector<16xi32> to vector<16xi32>
        %lt3A = arith.constant 32 : i32
        %lt3A_278 = vector.broadcast %lt3A : i32 to vector<16xi32>
        %lt3A_279 = arith.cmpi ult, %bitcast3A, %lt3A_278 : vector<16xi32>
        %mul3A_280 = arith.constant 16 : i32
        %mul3A_281 = arith.muli %scan3A_267, %mul3A_280 : i32
        %add3A_282 = vector.broadcast %mul3A_281 : i32 to vector<16xi32>
        %add3A_283 = arith.addi %iota3A, %add3A_282 : vector<16xi32>
        tpu.vector_store_idx %arg7[%sub3A_277, %add3A_283], %broadcast_in_dim3A_4 masked %lt3A_279 : memref<32x512xf32, #tpu.memory_space<vmem>>[vector<16xi32>, vector<16xi32>], vector<16xf32>, vector<16xi1>
        %mul3A_284 = arith.constant 512 : i32
        %mul3A_285 = arith.muli %add3A_187, %mul3A_284 : i32
        %mul3A_286 = arith.constant 16 : i32
        %mul3A_287 = arith.muli %scan3A_267, %mul3A_286 : i32
        %add3A_288 = arith.addi %mul3A_285, %mul3A_287 : i32
        %get3A_289 = arith.index_cast %add3A_288 : i32 to index
        %get3A_290 = tpu.vector_load %arg4[%get3A_289] {strides = array<i32>} : memref<16384xi32, #tpu.memory_space<vmem>>, vector<16xi32>,
        %sub3A_291 = vector.broadcast %min3A_3 : i32 to vector<16xi32>
        %sub3A_292 = arith.subi %get3A_290, %sub3A_291 : vector<16xi32>
        %bitcast3A_293 = vector.bitcast %sub3A_292 : vector<16xi32> to vector<16xi32>
        %lt3A_294 = arith.constant 32 : i32
        %lt3A_295 = vector.broadcast %lt3A_294 : i32 to vector<16xi32>
        %lt3A_296 = arith.cmpi ult, %bitcast3A_293, %lt3A_295 : vector<16xi32>
        %mul3A_297 = arith.constant 16 : i32
        %mul3A_298 = arith.muli %scan3A_267, %mul3A_297 : i32
        %add3A_299 = vector.broadcast %mul3A_298 : i32 to vector<16xi32>
        %add3A_300 = arith.addi %iota3A, %add3A_299 : vector<16xi32>
        tpu.vector_store_idx %arg7[%sub3A_292, %add3A_300], %broadcast_in_dim3A_6 masked %lt3A_296 : memref<32x512xf32, #tpu.memory_space<vmem>>[vector<16xi32>, vector<16xi32>], vector<16xf32>, vector<16xi1>
        %scan3A_301 = arith.constant 0 : i32
        scf.yield %scan3A_301 : i32
      }
      %scan3A_198 = arith.constant 32 : i32
      %mul3A_199 = arith.constant 512 : i32
      %mul3A_200 = arith.muli %add3A_187, %mul3A_199 : i32
      %dma_start3A_201 = tpu.memref_slice %arg3[%min3A_3, %mul3A_200] : memref<1000x16384xf32, #tpu.memory_space<hbm>> -> memref<32x512xf32, #tpu.memory_space<hbm>>
      %dma_start3A_202 = tpu.memref_slice %arg3[%min3A_3, %mul3A_200] : memref<1000x16384xf32, #tpu.memory_space<hbm>> -> memref<32x512xf32, #tpu.memory_space<hbm>>
      tpu.enqueue_dma source(%arg7 : memref<32x512xf32, #tpu.memory_space<vmem>>) target(%dma_start3A_202 : memref<32x512xf32, #tpu.memory_space<hbm>>) target_semaphore(%arg13 : memref<!tpu.dma_semaphore, #tpu.memory_space<semaphore_mem>>)
      %mul3A_203 = arith.constant 6 : i32
      %mul3A_204 = arith.muli %scan3A_138, %mul3A_203 : i32
      %add3A_205 = arith.constant 6 : i32
      %add3A_206 = arith.addi %add3A_205, %mul3A_204 : i32
      %add3A_207 = arith.constant 3 : i32
      %add3A_208 = arith.addi %add3A_206, %add3A_207 : i32
      %dma_wait3A_209 = arith.constant 0 : i32
      %dma_wait3A_210 = tpu.memref_slice %arg3[%min3A_3, %dma_wait3A_209] : memref<1000x16384xf32, #tpu.memory_space<hbm>> -> memref<32x512xf32, #tpu.memory_space<hbm>>
      %dma_wait3A_211 = arith.constant 0 : i32
      %dma_wait3A_212 = tpu.memref_slice %arg3[%min3A_3, %dma_wait3A_211] : memref<1000x16384xf32, #tpu.memory_space<hbm>> -> memref<32x512xf32, #tpu.memory_space<hbm>>
      tpu.wait_dma2 semaphore(%arg14 : memref<!tpu.dma_semaphore, #tpu.memory_space<semaphore_mem>>) src(%arg8 : memref<32x512xf32, #tpu.memory_space<vmem>>) dst(%dma_wait3A_212 : memref<32x512xf32, #tpu.memory_space<hbm>>)
      %scan3A_213 = arith.constant 0 : i32
      %scan3A_214 = arith.constant 0 : i32
      %scan3A_215 = arith.constant 32 : i32
      %scan3A_216 = arith.addi %scan3A_214, %scan3A_215 : i32
      %scan3A_217 = arith.constant 1 : i32
      %scan3A_218 = scf.for %scan3A_267 = %scan3A_214 to %scan3A_216 step %scan3A_217 iter_args(%scan3A_268 = %scan3A_213) -> (i32)  : i32 {
        %sub3A = arith.constant 6 : i32
        %sub3A_269 = arith.subi %add3A_208, %sub3A : i32
        %mul3A_270 = arith.constant 512 : i32
        %mul3A_271 = arith.muli %sub3A_269, %mul3A_270 : i32
        %mul3A_272 = arith.constant 16 : i32
        %mul3A_273 = arith.muli %scan3A_267, %mul3A_272 : i32
        %add3A_274 = arith.addi %mul3A_271, %mul3A_273 : i32
        %get3A = arith.index_cast %add3A_274 : i32 to index
        %get3A_275 = tpu.vector_load %arg4[%get3A] {strides = array<i32>} : memref<16384xi32, #tpu.memory_space<vmem>>, vector<16xi32>,
        %sub3A_276 = vector.broadcast %min3A_3 : i32 to vector<16xi32>
        %sub3A_277 = arith.subi %get3A_275, %sub3A_276 : vector<16xi32>
        %bitcast3A = vector.bitcast %sub3A_277 : vector<16xi32> to vector<16xi32>
        %lt3A = arith.constant 32 : i32
        %lt3A_278 = vector.broadcast %lt3A : i32 to vector<16xi32>
        %lt3A_279 = arith.cmpi ult, %bitcast3A, %lt3A_278 : vector<16xi32>
        %mul3A_280 = arith.constant 16 : i32
        %mul3A_281 = arith.muli %scan3A_267, %mul3A_280 : i32
        %add3A_282 = vector.broadcast %mul3A_281 : i32 to vector<16xi32>
        %add3A_283 = arith.addi %iota3A, %add3A_282 : vector<16xi32>
        tpu.vector_store_idx %arg8[%sub3A_277, %add3A_283], %broadcast_in_dim3A_4 masked %lt3A_279 : memref<32x512xf32, #tpu.memory_space<vmem>>[vector<16xi32>, vector<16xi32>], vector<16xf32>, vector<16xi1>
        %mul3A_284 = arith.constant 512 : i32
        %mul3A_285 = arith.muli %add3A_208, %mul3A_284 : i32
        %mul3A_286 = arith.constant 16 : i32
        %mul3A_287 = arith.muli %scan3A_267, %mul3A_286 : i32
        %add3A_288 = arith.addi %mul3A_285, %mul3A_287 : i32
        %get3A_289 = arith.index_cast %add3A_288 : i32 to index
        %get3A_290 = tpu.vector_load %arg4[%get3A_289] {strides = array<i32>} : memref<16384xi32, #tpu.memory_space<vmem>>, vector<16xi32>,
        %sub3A_291 = vector.broadcast %min3A_3 : i32 to vector<16xi32>
        %sub3A_292 = arith.subi %get3A_290, %sub3A_291 : vector<16xi32>
        %bitcast3A_293 = vector.bitcast %sub3A_292 : vector<16xi32> to vector<16xi32>
        %lt3A_294 = arith.constant 32 : i32
        %lt3A_295 = vector.broadcast %lt3A_294 : i32 to vector<16xi32>
        %lt3A_296 = arith.cmpi ult, %bitcast3A_293, %lt3A_295 : vector<16xi32>
        %mul3A_297 = arith.constant 16 : i32
        %mul3A_298 = arith.muli %scan3A_267, %mul3A_297 : i32
        %add3A_299 = vector.broadcast %mul3A_298 : i32 to vector<16xi32>
        %add3A_300 = arith.addi %iota3A, %add3A_299 : vector<16xi32>
        tpu.vector_store_idx %arg8[%sub3A_292, %add3A_300], %broadcast_in_dim3A_6 masked %lt3A_296 : memref<32x512xf32, #tpu.memory_space<vmem>>[vector<16xi32>, vector<16xi32>], vector<16xf32>, vector<16xi1>
        %scan3A_301 = arith.constant 0 : i32
        scf.yield %scan3A_301 : i32
      }
      %scan3A_219 = arith.constant 32 : i32
      %mul3A_220 = arith.constant 512 : i32
      %mul3A_221 = arith.muli %add3A_208, %mul3A_220 : i32
      %dma_start3A_222 = tpu.memref_slice %arg3[%min3A_3, %mul3A_221] : memref<1000x16384xf32, #tpu.memory_space<hbm>> -> memref<32x512xf32, #tpu.memory_space<hbm>>
      %dma_start3A_223 = tpu.memref_slice %arg3[%min3A_3, %mul3A_221] : memref<1000x16384xf32, #tpu.memory_space<hbm>> -> memref<32x512xf32, #tpu.memory_space<hbm>>
      tpu.enqueue_dma source(%arg8 : memref<32x512xf32, #tpu.memory_space<vmem>>) target(%dma_start3A_223 : memref<32x512xf32, #tpu.memory_space<hbm>>) target_semaphore(%arg14 : memref<!tpu.dma_semaphore, #tpu.memory_space<semaphore_mem>>)
      %mul3A_224 = arith.constant 6 : i32
      %mul3A_225 = arith.muli %scan3A_138, %mul3A_224 : i32
      %add3A_226 = arith.constant 6 : i32
      %add3A_227 = arith.addi %add3A_226, %mul3A_225 : i32
      %add3A_228 = arith.constant 4 : i32
      %add3A_229 = arith.addi %add3A_227, %add3A_228 : i32
      %dma_wait3A_230 = arith.constant 0 : i32
      %dma_wait3A_231 = tpu.memref_slice %arg3[%min3A_3, %dma_wait3A_230] : memref<1000x16384xf32, #tpu.memory_space<hbm>> -> memref<32x512xf32, #tpu.memory_space<hbm>>
      %dma_wait3A_232 = arith.constant 0 : i32
      %dma_wait3A_233 = tpu.memref_slice %arg3[%min3A_3, %dma_wait3A_232] : memref<1000x16384xf32, #tpu.memory_space<hbm>> -> memref<32x512xf32, #tpu.memory_space<hbm>>
      tpu.wait_dma2 semaphore(%arg15 : memref<!tpu.dma_semaphore, #tpu.memory_space<semaphore_mem>>) src(%arg9 : memref<32x512xf32, #tpu.memory_space<vmem>>) dst(%dma_wait3A_233 : memref<32x512xf32, #tpu.memory_space<hbm>>)
      %scan3A_234 = arith.constant 0 : i32
      %scan3A_235 = arith.constant 0 : i32
      %scan3A_236 = arith.constant 32 : i32
      %scan3A_237 = arith.addi %scan3A_235, %scan3A_236 : i32
      %scan3A_238 = arith.constant 1 : i32
      %scan3A_239 = scf.for %scan3A_267 = %scan3A_235 to %scan3A_237 step %scan3A_238 iter_args(%scan3A_268 = %scan3A_234) -> (i32)  : i32 {
        %sub3A = arith.constant 6 : i32
        %sub3A_269 = arith.subi %add3A_229, %sub3A : i32
        %mul3A_270 = arith.constant 512 : i32
        %mul3A_271 = arith.muli %sub3A_269, %mul3A_270 : i32
        %mul3A_272 = arith.constant 16 : i32
        %mul3A_273 = arith.muli %scan3A_267, %mul3A_272 : i32
        %add3A_274 = arith.addi %mul3A_271, %mul3A_273 : i32
        %get3A = arith.index_cast %add3A_274 : i32 to index
        %get3A_275 = tpu.vector_load %arg4[%get3A] {strides = array<i32>} : memref<16384xi32, #tpu.memory_space<vmem>>, vector<16xi32>,
        %sub3A_276 = vector.broadcast %min3A_3 : i32 to vector<16xi32>
        %sub3A_277 = arith.subi %get3A_275, %sub3A_276 : vector<16xi32>
        %bitcast3A = vector.bitcast %sub3A_277 : vector<16xi32> to vector<16xi32>
        %lt3A = arith.constant 32 : i32
        %lt3A_278 = vector.broadcast %lt3A : i32 to vector<16xi32>
        %lt3A_279 = arith.cmpi ult, %bitcast3A, %lt3A_278 : vector<16xi32>
        %mul3A_280 = arith.constant 16 : i32
        %mul3A_281 = arith.muli %scan3A_267, %mul3A_280 : i32
        %add3A_282 = vector.broadcast %mul3A_281 : i32 to vector<16xi32>
        %add3A_283 = arith.addi %iota3A, %add3A_282 : vector<16xi32>
        tpu.vector_store_idx %arg9[%sub3A_277, %add3A_283], %broadcast_in_dim3A_4 masked %lt3A_279 : memref<32x512xf32, #tpu.memory_space<vmem>>[vector<16xi32>, vector<16xi32>], vector<16xf32>, vector<16xi1>
        %mul3A_284 = arith.constant 512 : i32
        %mul3A_285 = arith.muli %add3A_229, %mul3A_284 : i32
        %mul3A_286 = arith.constant 16 : i32
        %mul3A_287 = arith.muli %scan3A_267, %mul3A_286 : i32
        %add3A_288 = arith.addi %mul3A_285, %mul3A_287 : i32
        %get3A_289 = arith.index_cast %add3A_288 : i32 to index
        %get3A_290 = tpu.vector_load %arg4[%get3A_289] {strides = array<i32>} : memref<16384xi32, #tpu.memory_space<vmem>>, vector<16xi32>,
        %sub3A_291 = vector.broadcast %min3A_3 : i32 to vector<16xi32>
        %sub3A_292 = arith.subi %get3A_290, %sub3A_291 : vector<16xi32>
        %bitcast3A_293 = vector.bitcast %sub3A_292 : vector<16xi32> to vector<16xi32>
        %lt3A_294 = arith.constant 32 : i32
        %lt3A_295 = vector.broadcast %lt3A_294 : i32 to vector<16xi32>
        %lt3A_296 = arith.cmpi ult, %bitcast3A_293, %lt3A_295 : vector<16xi32>
        %mul3A_297 = arith.constant 16 : i32
        %mul3A_298 = arith.muli %scan3A_267, %mul3A_297 : i32
        %add3A_299 = vector.broadcast %mul3A_298 : i32 to vector<16xi32>
        %add3A_300 = arith.addi %iota3A, %add3A_299 : vector<16xi32>
        tpu.vector_store_idx %arg9[%sub3A_292, %add3A_300], %broadcast_in_dim3A_6 masked %lt3A_296 : memref<32x512xf32, #tpu.memory_space<vmem>>[vector<16xi32>, vector<16xi32>], vector<16xf32>, vector<16xi1>
        %scan3A_301 = arith.constant 0 : i32
        scf.yield %scan3A_301 : i32
      }
      %scan3A_240 = arith.constant 32 : i32
      %mul3A_241 = arith.constant 512 : i32
      %mul3A_242 = arith.muli %add3A_229, %mul3A_241 : i32
      %dma_start3A_243 = tpu.memref_slice %arg3[%min3A_3, %mul3A_242] : memref<1000x16384xf32, #tpu.memory_space<hbm>> -> memref<32x512xf32, #tpu.memory_space<hbm>>
      %dma_start3A_244 = tpu.memref_slice %arg3[%min3A_3, %mul3A_242] : memref<1000x16384xf32, #tpu.memory_space<hbm>> -> memref<32x512xf32, #tpu.memory_space<hbm>>
      tpu.enqueue_dma source(%arg9 : memref<32x512xf32, #tpu.memory_space<vmem>>) target(%dma_start3A_244 : memref<32x512xf32, #tpu.memory_space<hbm>>) target_semaphore(%arg15 : memref<!tpu.dma_semaphore, #tpu.memory_space<semaphore_mem>>)
      %mul3A_245 = arith.constant 6 : i32
      %mul3A_246 = arith.muli %scan3A_138, %mul3A_245 : i32
      %add3A_247 = arith.constant 6 : i32
      %add3A_248 = arith.addi %add3A_247, %mul3A_246 : i32
      %add3A_249 = arith.constant 5 : i32
      %add3A_250 = arith.addi %add3A_248, %add3A_249 : i32
      %dma_wait3A_251 = arith.constant 0 : i32
      %dma_wait3A_252 = tpu.memref_slice %arg3[%min3A_3, %dma_wait3A_251] : memref<1000x16384xf32, #tpu.memory_space<hbm>> -> memref<32x512xf32, #tpu.memory_space<hbm>>
      %dma_wait3A_253 = arith.constant 0 : i32
      %dma_wait3A_254 = tpu.memref_slice %arg3[%min3A_3, %dma_wait3A_253] : memref<1000x16384xf32, #tpu.memory_space<hbm>> -> memref<32x512xf32, #tpu.memory_space<hbm>>
      tpu.wait_dma2 semaphore(%arg16 : memref<!tpu.dma_semaphore, #tpu.memory_space<semaphore_mem>>) src(%arg10 : memref<32x512xf32, #tpu.memory_space<vmem>>) dst(%dma_wait3A_254 : memref<32x512xf32, #tpu.memory_space<hbm>>)
      %scan3A_255 = arith.constant 0 : i32
      %scan3A_256 = arith.constant 0 : i32
      %scan3A_257 = arith.constant 32 : i32
      %scan3A_258 = arith.addi %scan3A_256, %scan3A_257 : i32
      %scan3A_259 = arith.constant 1 : i32
      %scan3A_260 = scf.for %scan3A_267 = %scan3A_256 to %scan3A_258 step %scan3A_259 iter_args(%scan3A_268 = %scan3A_255) -> (i32)  : i32 {
        %sub3A = arith.constant 6 : i32
        %sub3A_269 = arith.subi %add3A_250, %sub3A : i32
        %mul3A_270 = arith.constant 512 : i32
        %mul3A_271 = arith.muli %sub3A_269, %mul3A_270 : i32
        %mul3A_272 = arith.constant 16 : i32
        %mul3A_273 = arith.muli %scan3A_267, %mul3A_272 : i32
        %add3A_274 = arith.addi %mul3A_271, %mul3A_273 : i32
        %get3A = arith.index_cast %add3A_274 : i32 to index
        %get3A_275 = tpu.vector_load %arg4[%get3A] {strides = array<i32>} : memref<16384xi32, #tpu.memory_space<vmem>>, vector<16xi32>,
        %sub3A_276 = vector.broadcast %min3A_3 : i32 to vector<16xi32>
        %sub3A_277 = arith.subi %get3A_275, %sub3A_276 : vector<16xi32>
        %bitcast3A = vector.bitcast %sub3A_277 : vector<16xi32> to vector<16xi32>
        %lt3A = arith.constant 32 : i32
        %lt3A_278 = vector.broadcast %lt3A : i32 to vector<16xi32>
        %lt3A_279 = arith.cmpi ult, %bitcast3A, %lt3A_278 : vector<16xi32>
        %mul3A_280 = arith.constant 16 : i32
        %mul3A_281 = arith.muli %scan3A_267, %mul3A_280 : i32
        %add3A_282 = vector.broadcast %mul3A_281 : i32 to vector<16xi32>
        %add3A_283 = arith.addi %iota3A, %add3A_282 : vector<16xi32>
        tpu.vector_store_idx %arg10[%sub3A_277, %add3A_283], %broadcast_in_dim3A_4 masked %lt3A_279 : memref<32x512xf32, #tpu.memory_space<vmem>>[vector<16xi32>, vector<16xi32>], vector<16xf32>, vector<16xi1>
        %mul3A_284 = arith.constant 512 : i32
        %mul3A_285 = arith.muli %add3A_250, %mul3A_284 : i32
        %mul3A_286 = arith.constant 16 : i32
        %mul3A_287 = arith.muli %scan3A_267, %mul3A_286 : i32
        %add3A_288 = arith.addi %mul3A_285, %mul3A_287 : i32
        %get3A_289 = arith.index_cast %add3A_288 : i32 to index
        %get3A_290 = tpu.vector_load %arg4[%get3A_289] {strides = array<i32>} : memref<16384xi32, #tpu.memory_space<vmem>>, vector<16xi32>,
        %sub3A_291 = vector.broadcast %min3A_3 : i32 to vector<16xi32>
        %sub3A_292 = arith.subi %get3A_290, %sub3A_291 : vector<16xi32>
        %bitcast3A_293 = vector.bitcast %sub3A_292 : vector<16xi32> to vector<16xi32>
        %lt3A_294 = arith.constant 32 : i32
        %lt3A_295 = vector.broadcast %lt3A_294 : i32 to vector<16xi32>
        %lt3A_296 = arith.cmpi ult, %bitcast3A_293, %lt3A_295 : vector<16xi32>
        %mul3A_297 = arith.constant 16 : i32
        %mul3A_298 = arith.muli %scan3A_267, %mul3A_297 : i32
        %add3A_299 = vector.broadcast %mul3A_298 : i32 to vector<16xi32>
        %add3A_300 = arith.addi %iota3A, %add3A_299 : vector<16xi32>
        tpu.vector_store_idx %arg10[%sub3A_292, %add3A_300], %broadcast_in_dim3A_6 masked %lt3A_296 : memref<32x512xf32, #tpu.memory_space<vmem>>[vector<16xi32>, vector<16xi32>], vector<16xf32>, vector<16xi1>
        %scan3A_301 = arith.constant 0 : i32
        scf.yield %scan3A_301 : i32
      }
      %scan3A_261 = arith.constant 32 : i32
      %mul3A_262 = arith.constant 512 : i32
      %mul3A_263 = arith.muli %add3A_250, %mul3A_262 : i32
      %dma_start3A_264 = tpu.memref_slice %arg3[%min3A_3, %mul3A_263] : memref<1000x16384xf32, #tpu.memory_space<hbm>> -> memref<32x512xf32, #tpu.memory_space<hbm>>
      %dma_start3A_265 = tpu.memref_slice %arg3[%min3A_3, %mul3A_263] : memref<1000x16384xf32, #tpu.memory_space<hbm>> -> memref<32x512xf32, #tpu.memory_space<hbm>>
      tpu.enqueue_dma source(%arg10 : memref<32x512xf32, #tpu.memory_space<vmem>>) target(%dma_start3A_265 : memref<32x512xf32, #tpu.memory_space<hbm>>) target_semaphore(%arg16 : memref<!tpu.dma_semaphore, #tpu.memory_space<semaphore_mem>>)
      %scan3A_266 = arith.constant 0 : i32
      scf.yield %scan3A_266 : i32
    }
    %scan3A_84 = arith.constant 4 : i32
    %dma_wait3A = arith.constant 0 : i32
    %dma_wait3A_85 = tpu.memref_slice %arg3[%min3A_3, %dma_wait3A] : memref<1000x16384xf32, #tpu.memory_space<hbm>> -> memref<32x512xf32, #tpu.memory_space<hbm>>
    %dma_wait3A_86 = arith.constant 0 : i32
    %dma_wait3A_87 = tpu.memref_slice %arg3[%min3A_3, %dma_wait3A_86] : memref<1000x16384xf32, #tpu.memory_space<hbm>> -> memref<32x512xf32, #tpu.memory_space<hbm>>
    tpu.wait_dma2 semaphore(%arg11 : memref<!tpu.dma_semaphore, #tpu.memory_space<semaphore_mem>>) src(%arg5 : memref<32x512xf32, #tpu.memory_space<vmem>>) dst(%dma_wait3A_87 : memref<32x512xf32, #tpu.memory_space<hbm>>)
    %scan3A_88 = arith.constant 0 : i32
    %scan3A_89 = arith.constant 0 : i32
    %scan3A_90 = arith.constant 32 : i32
    %scan3A_91 = arith.addi %scan3A_89, %scan3A_90 : i32
    %scan3A_92 = arith.constant 1 : i32
    %scan3A_93 = scf.for %scan3A_138 = %scan3A_89 to %scan3A_91 step %scan3A_92 iter_args(%scan3A_139 = %scan3A_88) -> (i32)  : i32 {
      %mul3A_140 = arith.constant 16 : i32
      %mul3A_141 = arith.muli %scan3A_138, %mul3A_140 : i32
      %add3A_142 = arith.constant 12288 : i32
      %add3A_143 = arith.addi %add3A_142, %mul3A_141 : i32
      %get3A = arith.index_cast %add3A_143 : i32 to index
      %get3A_144 = tpu.vector_load %arg4[%get3A] {strides = array<i32>} : memref<16384xi32, #tpu.memory_space<vmem>>, vector<16xi32>,
      %sub3A = vector.broadcast %min3A_3 : i32 to vector<16xi32>
      %sub3A_145 = arith.subi %get3A_144, %sub3A : vector<16xi32>
      %bitcast3A = vector.bitcast %sub3A_145 : vector<16xi32> to vector<16xi32>
      %lt3A = arith.constant 32 : i32
      %lt3A_146 = vector.broadcast %lt3A : i32 to vector<16xi32>
      %lt3A_147 = arith.cmpi ult, %bitcast3A, %lt3A_146 : vector<16xi32>
      %mul3A_148 = arith.constant 16 : i32
      %mul3A_149 = arith.muli %scan3A_138, %mul3A_148 : i32
      %add3A_150 = vector.broadcast %mul3A_149 : i32 to vector<16xi32>
      %add3A_151 = arith.addi %iota3A, %add3A_150 : vector<16xi32>
      tpu.vector_store_idx %arg5[%sub3A_145, %add3A_151], %broadcast_in_dim3A_4 masked %lt3A_147 : memref<32x512xf32, #tpu.memory_space<vmem>>[vector<16xi32>, vector<16xi32>], vector<16xf32>, vector<16xi1>
      %mul3A_152 = arith.constant 16 : i32
      %mul3A_153 = arith.muli %scan3A_138, %mul3A_152 : i32
      %add3A_154 = arith.constant 15360 : i32
      %add3A_155 = arith.addi %add3A_154, %mul3A_153 : i32
      %get3A_156 = arith.index_cast %add3A_155 : i32 to index
      %get3A_157 = tpu.vector_load %arg4[%get3A_156] {strides = array<i32>} : memref<16384xi32, #tpu.memory_space<vmem>>, vector<16xi32>,
      %sub3A_158 = vector.broadcast %min3A_3 : i32 to vector<16xi32>
      %sub3A_159 = arith.subi %get3A_157, %sub3A_158 : vector<16xi32>
      %bitcast3A_160 = vector.bitcast %sub3A_159 : vector<16xi32> to vector<16xi32>
      %lt3A_161 = arith.constant 32 : i32
      %lt3A_162 = vector.broadcast %lt3A_161 : i32 to vector<16xi32>
      %lt3A_163 = arith.cmpi ult, %bitcast3A_160, %lt3A_162 : vector<16xi32>
      %mul3A_164 = arith.constant 16 : i32
      %mul3A_165 = arith.muli %scan3A_138, %mul3A_164 : i32
      %add3A_166 = vector.broadcast %mul3A_165 : i32 to vector<16xi32>
      %add3A_167 = arith.addi %iota3A, %add3A_166 : vector<16xi32>
      tpu.vector_store_idx %arg5[%sub3A_159, %add3A_167], %broadcast_in_dim3A_6 masked %lt3A_163 : memref<32x512xf32, #tpu.memory_space<vmem>>[vector<16xi32>, vector<16xi32>], vector<16xf32>, vector<16xi1>
      %scan3A_168 = arith.constant 0 : i32
      scf.yield %scan3A_168 : i32
    }
    %scan3A_94 = arith.constant 32 : i32
    %dma_start3A_95 = arith.constant 15360 : i32
    %dma_start3A_96 = tpu.memref_slice %arg3[%min3A_3, %dma_start3A_95] : memref<1000x16384xf32, #tpu.memory_space<hbm>> -> memref<32x512xf32, #tpu.memory_space<hbm>>
    %dma_start3A_97 = arith.constant 15360 : i32
    %dma_start3A_98 = tpu.memref_slice %arg3[%min3A_3, %dma_start3A_97] : memref<1000x16384xf32, #tpu.memory_space<hbm>> -> memref<32x512xf32, #tpu.memory_space<hbm>>
    tpu.enqueue_dma source(%arg5 : memref<32x512xf32, #tpu.memory_space<vmem>>) target(%dma_start3A_98 : memref<32x512xf32, #tpu.memory_space<hbm>>) target_semaphore(%arg11 : memref<!tpu.dma_semaphore, #tpu.memory_space<semaphore_mem>>)
    %dma_wait3A_99 = arith.constant 0 : i32
    %dma_wait3A_100 = tpu.memref_slice %arg3[%min3A_3, %dma_wait3A_99] : memref<1000x16384xf32, #tpu.memory_space<hbm>> -> memref<32x512xf32, #tpu.memory_space<hbm>>
    %dma_wait3A_101 = arith.constant 0 : i32
    %dma_wait3A_102 = tpu.memref_slice %arg3[%min3A_3, %dma_wait3A_101] : memref<1000x16384xf32, #tpu.memory_space<hbm>> -> memref<32x512xf32, #tpu.memory_space<hbm>>
    tpu.wait_dma2 semaphore(%arg12 : memref<!tpu.dma_semaphore, #tpu.memory_space<semaphore_mem>>) src(%arg6 : memref<32x512xf32, #tpu.memory_space<vmem>>) dst(%dma_wait3A_102 : memref<32x512xf32, #tpu.memory_space<hbm>>)
    %scan3A_103 = arith.constant 0 : i32
    %scan3A_104 = arith.constant 0 : i32
    %scan3A_105 = arith.constant 32 : i32
    %scan3A_106 = arith.addi %scan3A_104, %scan3A_105 : i32
    %scan3A_107 = arith.constant 1 : i32
    %scan3A_108 = scf.for %scan3A_138 = %scan3A_104 to %scan3A_106 step %scan3A_107 iter_args(%scan3A_139 = %scan3A_103) -> (i32)  : i32 {
      %mul3A_140 = arith.constant 16 : i32
      %mul3A_141 = arith.muli %scan3A_138, %mul3A_140 : i32
      %add3A_142 = arith.constant 12800 : i32
      %add3A_143 = arith.addi %add3A_142, %mul3A_141 : i32
      %get3A = arith.index_cast %add3A_143 : i32 to index
      %get3A_144 = tpu.vector_load %arg4[%get3A] {strides = array<i32>} : memref<16384xi32, #tpu.memory_space<vmem>>, vector<16xi32>,
      %sub3A = vector.broadcast %min3A_3 : i32 to vector<16xi32>
      %sub3A_145 = arith.subi %get3A_144, %sub3A : vector<16xi32>
      %bitcast3A = vector.bitcast %sub3A_145 : vector<16xi32> to vector<16xi32>
      %lt3A = arith.constant 32 : i32
      %lt3A_146 = vector.broadcast %lt3A : i32 to vector<16xi32>
      %lt3A_147 = arith.cmpi ult, %bitcast3A, %lt3A_146 : vector<16xi32>
      %mul3A_148 = arith.constant 16 : i32
      %mul3A_149 = arith.muli %scan3A_138, %mul3A_148 : i32
      %add3A_150 = vector.broadcast %mul3A_149 : i32 to vector<16xi32>
      %add3A_151 = arith.addi %iota3A, %add3A_150 : vector<16xi32>
      tpu.vector_store_idx %arg6[%sub3A_145, %add3A_151], %broadcast_in_dim3A_4 masked %lt3A_147 : memref<32x512xf32, #tpu.memory_space<vmem>>[vector<16xi32>, vector<16xi32>], vector<16xf32>, vector<16xi1>
      %mul3A_152 = arith.constant 16 : i32
      %mul3A_153 = arith.muli %scan3A_138, %mul3A_152 : i32
      %add3A_154 = arith.constant 15872 : i32
      %add3A_155 = arith.addi %add3A_154, %mul3A_153 : i32
      %get3A_156 = arith.index_cast %add3A_155 : i32 to index
      %get3A_157 = tpu.vector_load %arg4[%get3A_156] {strides = array<i32>} : memref<16384xi32, #tpu.memory_space<vmem>>, vector<16xi32>,
      %sub3A_158 = vector.broadcast %min3A_3 : i32 to vector<16xi32>
      %sub3A_159 = arith.subi %get3A_157, %sub3A_158 : vector<16xi32>
      %bitcast3A_160 = vector.bitcast %sub3A_159 : vector<16xi32> to vector<16xi32>
      %lt3A_161 = arith.constant 32 : i32
      %lt3A_162 = vector.broadcast %lt3A_161 : i32 to vector<16xi32>
      %lt3A_163 = arith.cmpi ult, %bitcast3A_160, %lt3A_162 : vector<16xi32>
      %mul3A_164 = arith.constant 16 : i32
      %mul3A_165 = arith.muli %scan3A_138, %mul3A_164 : i32
      %add3A_166 = vector.broadcast %mul3A_165 : i32 to vector<16xi32>
      %add3A_167 = arith.addi %iota3A, %add3A_166 : vector<16xi32>
      tpu.vector_store_idx %arg6[%sub3A_159, %add3A_167], %broadcast_in_dim3A_6 masked %lt3A_163 : memref<32x512xf32, #tpu.memory_space<vmem>>[vector<16xi32>, vector<16xi32>], vector<16xf32>, vector<16xi1>
      %scan3A_168 = arith.constant 0 : i32
      scf.yield %scan3A_168 : i32
    }
    %scan3A_109 = arith.constant 32 : i32
    %dma_start3A_110 = arith.constant 15872 : i32
    %dma_start3A_111 = tpu.memref_slice %arg3[%min3A_3, %dma_start3A_110] : memref<1000x16384xf32, #tpu.memory_space<hbm>> -> memref<32x512xf32, #tpu.memory_space<hbm>>
    %dma_start3A_112 = arith.constant 15872 : i32
    %dma_start3A_113 = tpu.memref_slice %arg3[%min3A_3, %dma_start3A_112] : memref<1000x16384xf32, #tpu.memory_space<hbm>> -> memref<32x512xf32, #tpu.memory_space<hbm>>
    tpu.enqueue_dma source(%arg6 : memref<32x512xf32, #tpu.memory_space<vmem>>) target(%dma_start3A_113 : memref<32x512xf32, #tpu.memory_space<hbm>>) target_semaphore(%arg12 : memref<!tpu.dma_semaphore, #tpu.memory_space<semaphore_mem>>)
    %dma_wait3A_114 = arith.constant 0 : i32
    %dma_wait3A_115 = tpu.memref_slice %arg3[%min3A_3, %dma_wait3A_114] : memref<1000x16384xf32, #tpu.memory_space<hbm>> -> memref<32x512xf32, #tpu.memory_space<hbm>>
    %dma_wait3A_116 = arith.constant 0 : i32
    %dma_wait3A_117 = tpu.memref_slice %arg3[%min3A_3, %dma_wait3A_116] : memref<1000x16384xf32, #tpu.memory_space<hbm>> -> memref<32x512xf32, #tpu.memory_space<hbm>>
    tpu.wait_dma2 semaphore(%arg11 : memref<!tpu.dma_semaphore, #tpu.memory_space<semaphore_mem>>) src(%arg5 : memref<32x512xf32, #tpu.memory_space<vmem>>) dst(%dma_wait3A_117 : memref<32x512xf32, #tpu.memory_space<hbm>>)
    %dma_wait3A_118 = arith.constant 0 : i32
    %dma_wait3A_119 = tpu.memref_slice %arg3[%min3A_3, %dma_wait3A_118] : memref<1000x16384xf32, #tpu.memory_space<hbm>> -> memref<32x512xf32, #tpu.memory_space<hbm>>
    %dma_wait3A_120 = arith.constant 0 : i32
    %dma_wait3A_121 = tpu.memref_slice %arg3[%min3A_3, %dma_wait3A_120] : memref<1000x16384xf32, #tpu.memory_space<hbm>> -> memref<32x512xf32, #tpu.memory_space<hbm>>
    tpu.wait_dma2 semaphore(%arg12 : memref<!tpu.dma_semaphore, #tpu.memory_space<semaphore_mem>>) src(%arg6 : memref<32x512xf32, #tpu.memory_space<vmem>>) dst(%dma_wait3A_121 : memref<32x512xf32, #tpu.memory_space<hbm>>)
    %dma_wait3A_122 = arith.constant 0 : i32
    %dma_wait3A_123 = tpu.memref_slice %arg3[%min3A_3, %dma_wait3A_122] : memref<1000x16384xf32, #tpu.memory_space<hbm>> -> memref<32x512xf32, #tpu.memory_space<hbm>>
    %dma_wait3A_124 = arith.constant 0 : i32
    %dma_wait3A_125 = tpu.memref_slice %arg3[%min3A_3, %dma_wait3A_124] : memref<1000x16384xf32, #tpu.memory_space<hbm>> -> memref<32x512xf32, #tpu.memory_space<hbm>>
    tpu.wait_dma2 semaphore(%arg13 : memref<!tpu.dma_semaphore, #tpu.memory_space<semaphore_mem>>) src(%arg7 : memref<32x512xf32, #tpu.memory_space<vmem>>) dst(%dma_wait3A_125 : memref<32x512xf32, #tpu.memory_space<hbm>>)
    %dma_wait3A_126 = arith.constant 0 : i32
    %dma_wait3A_127 = tpu.memref_slice %arg3[%min3A_3, %dma_wait3A_126] : memref<1000x16384xf32, #tpu.memory_space<hbm>> -> memref<32x512xf32, #tpu.memory_space<hbm>>
    %dma_wait3A_128 = arith.constant 0 : i32
    %dma_wait3A_129 = tpu.memref_slice %arg3[%min3A_3, %dma_wait3A_128] : memref<1000x16384xf32, #tpu.memory_space<hbm>> -> memref<32x512xf32, #tpu.memory_space<hbm>>
    tpu.wait_dma2 semaphore(%arg14 : memref<!tpu.dma_semaphore, #tpu.memory_space<semaphore_mem>>) src(%arg8 : memref<32x512xf32, #tpu.memory_space<vmem>>) dst(%dma_wait3A_129 : memref<32x512xf32, #tpu.memory_space<hbm>>)
    %dma_wait3A_130 = arith.constant 0 : i32
    %dma_wait3A_131 = tpu.memref_slice %arg3[%min3A_3, %dma_wait3A_130] : memref<1000x16384xf32, #tpu.memory_space<hbm>> -> memref<32x512xf32, #tpu.memory_space<hbm>>
    %dma_wait3A_132 = arith.constant 0 : i32
    %dma_wait3A_133 = tpu.memref_slice %arg3[%min3A_3, %dma_wait3A_132] : memref<1000x16384xf32, #tpu.memory_space<hbm>> -> memref<32x512xf32, #tpu.memory_space<hbm>>
    tpu.wait_dma2 semaphore(%arg15 : memref<!tpu.dma_semaphore, #tpu.memory_space<semaphore_mem>>) src(%arg9 : memref<32x512xf32, #tpu.memory_space<vmem>>) dst(%dma_wait3A_133 : memref<32x512xf32, #tpu.memory_space<hbm>>)
    %dma_wait3A_134 = arith.constant 0 : i32
    %dma_wait3A_135 = tpu.memref_slice %arg3[%min3A_3, %dma_wait3A_134] : memref<1000x16384xf32, #tpu.memory_space<hbm>> -> memref<32x512xf32, #tpu.memory_space<hbm>>
    %dma_wait3A_136 = arith.constant 0 : i32
    %dma_wait3A_137 = tpu.memref_slice %arg3[%min3A_3, %dma_wait3A_136] : memref<1000x16384xf32, #tpu.memory_space<hbm>> -> memref<32x512xf32, #tpu.memory_space<hbm>>
    tpu.wait_dma2 semaphore(%arg16 : memref<!tpu.dma_semaphore, #tpu.memory_space<semaphore_mem>>) src(%arg10 : memref<32x512xf32, #tpu.memory_space<vmem>>) dst(%dma_wait3A_137 : memref<32x512xf32, #tpu.memory_space<hbm>>)
    return
  }
}

</mosaic_0001>

<sc_bundles>
// kernel: _sc_call.3.cloned.1.call-start
scs
__scs_entry_jumppad:
0x0: {  	(pc) =	sbr.rel $0x88, $3  }
0x1: {  	(tag) =	ssettag $0x0;
	lr =	simm.s32 $0x1  }
0x2: {  	[smem:$0x3FA0] =	sst lr;
	_ =	strace $0xD0000000  }
0x3: {  	_ = 	snop  }
0x4: {  	_ = 	snop  }
0x5: {  	_ = 	snop  }
0x6: {  	_ = 	snop  }
0x7: {  	_ = 	snop  }
__scs_overlays_trampoline_lowered:
0x8: {  	[smem:$0x3FAF] =	sst s0  }
0x9: {  	[smem:$0x3FB0] =	sst s1  }
0xa: {  	[smem:$0x3FB1] =	sst s2  }
0xb: {  	[smem:$0x3FB2] =	sst s3  }
0xc: {  	[smem:$0x3FB3] =	sst s4  }
0xd: {  	[smem:$0x3FB4] =	sst s5  }
0xe: {  	[smem:$0x3FB5] =	sst s6  }
0xf: {  	[smem:$0x3FB6] =	sst s7  }
0x10: {  	[smem:$0x3FB7] =	sst s8  }
0x11: {  	[smem:$0x3FB8] =	sst s9;
	s0 =	simm.s32 @!p0 $0x0  }
0x12: {  	s1 =	sld [smem:$0x3F9E];
	s0 =	simm.s32 @p0 $0x1  }
0x13: {  	[smem:$0x3FB9] =	sst s0;
	s0 =	simm.s32 @!p1 $0x0  }
0x14: {  	s2 =	sld [smem:$0x3F9D];
	s0 =	simm.s32 @p1 $0x1  }
0x15: {  	[smem:$0x3FBA] =	sst s0;
	s0 =	simm.s32 @!p2 $0x0  }
0x16: {  	s3 =	sld [smem:$0x3FDB];
	s0 =	simm.s32 @p2 $0x1  }
0x17: {  	s4 =	simm.s32 $0x1BF5;
	[smem:$0x3FBC] =	sst s0  }
0x18: {  	s0 =	sld [smem:$0x3F9F];
	_ =	swait.ge [sflag:s4], $0x0  }
0x19: {  	s7 =	sld [smem:$0x3FA0]  }
0x1a: {  	s8 =	sadd.s32 $0xFFFFE003, lr  }
0x1b: {  	s9 =	sadd.s32 $0xFFFFFEF7, lr;
	s5 =	simm.s32 $0xFFFFFFFF;
	p2 =	slt.u32 s8, $0xFFFFF086  }
0x1c: {  	p1 =	slt.u32 s9, $0xF7A;
	s5 =	simm.s32 @!p2 $0x0  }
0x1d: {  	s5 =	simm.s32 @p1 $0x1;
	p0 =	seq.s32 s7, s2  }
0x1e: {  	s7 =	smul.u32 @!p0 $0xF7A, s2;
	p2 =	seq.s32 @!p0 s5, $0x0  }
0x1f: {  	s9 =	smul.u32 $0xF7A, s1;
	s8 =	simm.s32 @!p0 $0x1BF5;
	p2 =	por !p2, p0  }
0x20: {  	[sflag:s8] =	ssyncset.s32 @!p0 $0xFFFFF086;
	s6 =	sadd.s32 @!p0 s3, s7;
	s7 =	simm.s32 @!p0 $0x108  }
0x21: {  	s3 =	sadd.s32 s3, s9;
	s6 =	sadd.s32 @!p0 $0x88, s6;
	s7 =	simm.s32 @p2 $0x1082  }
0x22: {  	[simem:s7], [sflag:s8] =	dma.local @!p0 [hbm:s6], $0xF7A  }
0x23: {  	s9 =	sor.u32 $0xD0000000, s2;
	s6 =	simm.s32 $0x108;
	_ =	swait.ge @!p0 [sflag:s8], $0x0  }
0x24: {  	s3 =	sadd.s32 $0x88, s3;
	s6 =	simm.s32 @!p1 $0x1082;
	[sflag:s4] =	ssyncset.s32 $0xFFFFF086  }
0x25: {  	[simem:s6], [sflag:s4] =	dma.local [hbm:s3], $0xF7A  }
0x26: {  	[smem:$0x3FA0] =	sst s1;
	(tag) =	ssettag s2;
	_ =	strace s9  }
0x27: {  	s1 =	sld [smem:$0x3FB0]  }
0x28: {  	s2 =	sld [smem:$0x3FB1]  }
0x29: {  	s4 =	sld [smem:$0x3FB3]  }
0x2a: {  	p0 =	seq.s32 s5, $0x0;
	s5 =	sld [smem:$0x3FB4]  }
0x2b: {  	s6 =	sld [smem:$0x3FB5]  }
0x2c: {  	s7 =	sld [smem:$0x3FB6]  }
0x2d: {  	s3 =	simm.s32 $0x108;
	s8 =	sld [smem:$0x3FB7]  }
0x2e: {  	s3 =	simm.s32 @!p0 $0x1082;
	s9 =	sld [smem:$0x3FB8]  }
0x2f: {  	lr =	sadd.s32 s0, s3;
	s0 =	sld [smem:$0x3FAF]  }
0x30: {  	s3 =	sld [smem:$0x3FB2]  }
0x31: {  	[smem:$0x3FBB] =	sst s10  }
0x32: {  	s10 =	sld [smem:$0x3FB9];
	_ =	sdelay $0x3  }
0x33: {  	p0 =	seq.s32 s10, $0x1;
	s10 =	sld [smem:$0x3FBB];
	_ =	sdelay $0x3  }
0x34: {  	[smem:$0x3FBB] =	sst s10  }
0x35: {  	s10 =	sld [smem:$0x3FBA];
	_ =	sdelay $0x3  }
0x36: {  	p1 =	seq.s32 s10, $0x1;
	s10 =	sld [smem:$0x3FBB];
	_ =	sdelay $0x3  }
0x37: {  	[smem:$0x3FBB] =	sst s10  }
0x38: {  	s10 =	sld [smem:$0x3FBC]  }
0x39: {  	_ = 	snop;
	(pc) =	sbr.ind lr, $3  }
0x3a: {  	_ = 	snop  }
0x3b: {  	_ = 	snop  }
0x3c: {  	p2 =	seq.s32 s10, $0x1;
	s10 =	sld [smem:$0x3FBB]  }
0x3d: {  	_ =	shalt  }
0x3e: {  	_ =	shalt  }
0x3f: {  	_ =	shalt  }
0x40: {  	_ =	shalt  }
0x41: {  	_ =	shalt  }
0x42: {  	_ =	shalt  }
0x43: {  	_ =	shalt  }
0x44: {  	_ =	shalt  }
0x45: {  	_ =	shalt  }
0x46: {  	_ =	shalt  }
0x47: {  	_ =	shalt  }
0x48: {  	_ =	shalt  }
0x49: {  	_ =	shalt  }
0x4a: {  	_ =	shalt  }
0x4b: {  	_ =	shalt  }
0x4c: {  	_ =	shalt  }
0x4d: {  	_ =	shalt  }
0x4e: {  	_ =	shalt  }
0x4f: {  	_ =	shalt  }
0x50: {  	_ =	shalt  }
0x51: {  	_ =	shalt  }
0x52: {  	_ =	shalt  }
0x53: {  	_ =	shalt  }
0x54: {  	_ =	shalt  }
0x55: {  	_ =	shalt  }
0x56: {  	_ =	shalt  }
0x57: {  	_ =	shalt  }
0x58: {  	_ =	shalt  }
0x59: {  	_ =	shalt  }
0x5a: {  	_ =	shalt  }
0x5b: {  	_ =	shalt  }
0x5c: {  	_ =	shalt  }
0x5d: {  	_ =	shalt  }
0x5e: {  	_ =	shalt  }
0x5f: {  	_ =	shalt  }
0x60: {  	_ =	shalt  }
0x61: {  	_ =	shalt  }
0x62: {  	_ =	shalt  }
0x63: {  	_ =	shalt  }
0x64: {  	_ =	shalt  }
0x65: {  	_ =	shalt  }
0x66: {  	_ =	shalt  }
0x67: {  	_ =	shalt  }
0x68: {  	_ =	shalt  }
0x69: {  	_ =	shalt  }
0x6a: {  	_ =	shalt  }
0x6b: {  	_ =	shalt  }
0x6c: {  	_ =	shalt  }
0x6d: {  	_ =	shalt  }
0x6e: {  	_ =	shalt  }
0x6f: {  	_ =	shalt  }
0x70: {  	_ =	shalt  }
0x71: {  	_ =	shalt  }
0x72: {  	_ =	shalt  }
0x73: {  	_ =	shalt  }
0x74: {  	_ =	shalt  }
0x75: {  	_ =	shalt  }
0x76: {  	_ =	shalt  }
0x77: {  	_ =	shalt  }
0x78: {  	_ =	shalt  }
0x79: {  	_ =	shalt  }
0x7a: {  	_ =	shalt  }
0x7b: {  	_ =	shalt  }
0x7c: {  	_ =	shalt  }
0x7d: {  	_ =	shalt  }
0x7e: {  	_ =	shalt  }
0x7f: {  	_ =	shalt  }
0x80: {  	_ =	shalt  }
0x81: {  	_ =	shalt  }
0x82: {  	_ =	shalt  }
0x83: {  	_ =	shalt  }
0x84: {  	_ =	shalt  }
0x85: {  	_ =	shalt  }
0x86: {  	_ =	shalt  }
0x87: {  	_ =	shalt  }
.Lfunc_end0:
.L_simem_size_0:
called_computation_lowered:
.L_overlay_start_0:
0x88: {  	s2 =	sld [smem:$0x3FD9]  }
0x89: {  	s3 =	sld [smem:$0x3FFE];
	_ =	sdelay $0x1  }
0x8a: {  	s1 =	srdreg.scid  }
0x8b: {  	s0 =	sand.u32 $0x1, s1  }
0x8c: {  	s18 =	sshll.u32 s0, $0xA;
	s2 =	sadd.s32 s3, s2  }
0x8d: {  	s2 =	sadd.s32 s2, s18  }
0x8e: {  	[smem:$0x3FC7] =	sst s2  }
0x8f: {  	_ = 	snop  }
0x90: {  	s2 =	sld [smem:$0x3FC9]  }
0x91: {  	s19 =	sld [smem:$0x3FD0];
	(tm) =	ssettm $0x1  }
0x92: {  	s4 =	sld [smem:$0x3FFB];
	_ =	sdelay $0x3  }
0x93: {  	_ =	strace s4  }
0x94: {  	s4 =	sld [smem:$0x3FFC];
	_ =	sdelay $0x3  }
0x95: {  	_ =	strace s4  }
0x96: {  	s4 =	sld [smem:$0x3FFD];
	_ =	sdelay $0x3  }
0x97: {  	_ =	strace s4  }
0x98: {  	_ =	strace $0x8FFFFFFF  }
0x99: {  	s20 =	sld [smem:$0x3FDB];
	_ =	sdelay $0x1  }
0x9a: {  	s5 =	simm.s32 $_scs_section_size  }
0x9b: {  	s6 =	simm.s32 $_size__tile_overlayer_lowered;
	s7 =	simm.s32 $_tile_overlayer_lowered  }
0x9c: {  	s23 =	simm.s32 $0x1BFF;
	s22 =	sshll.u32 s7, $0x1;
	s4 =	sadd.s32 s5, s20  }
0x9d: {  	s8 =	simm.s32 $0x0;
	s21 =	sshll.u32 s6, $0x1;
	s6 =	sadd.s32 s22, s4  }
0x9e: {  	[timem:s8], [sflag:s23] =	dma.local [hbm:s6], s21  }
0x9f: {  	_ =	swait.ge [sflag:s23], s21  }
0xa0: {  	s5 =	ssub.s32 $0x0, s21;
	[sflag:s23] =	ssyncset.done $0x0  }
0xa1: {  	[sflag:s23] =	ssyncadd.s32 s5;
	_ =	sdelay $0x1  }
0xa2: {  	s24 =	simm.s32 $0x1B8B  }
0xa3: {  	_ =	swait.ge [sflag:s24], $0x1  }
0xa4: {  	[sflag:s24] =	ssyncset.done $0x0  }
0xa5: {  	s25 =	simm.s32 $0x1B8E;
	[sflag:s24] =	ssyncadd.s32 $0xFFFFFFFF  }
0xa6: {  	s26 =	simm.s32 $execute0_lowered;
	[smem:$0x3FD2] =	sst s25  }
0xa7: {  	s5 =	sshll.u32 s26, $0x1;
	_ =	strace $0x80000046;
	[dreg:$0x1] =	wrdreg $0xFFFFFFFF  }
0xa8: {  	s28 =	simm.s32 $_size_execute0_lowered;
	s4 =	sadd.s32 s4, s5;
	[dreg:$0x0] =	wrdreg $0x0  }
0xa9: {  	s5 =	sshll.u32 s28, $0x1;
	[dreg:$0x2] =	wrdreg s4  }
0xaa: {  	[dreg:$0x3] =	wrdreg s5  }
0xab: {  	[dreg:$0x4] =	wrdreg $0xC0  }
0xac: {  	_ =	task [dreg:s8], $0x5FFFF  }
0xad: {  	[dreg:$0x1] =	wrdreg $0xFFFFFFFF  }
0xae: {  	[dreg:$0x0] =	wrdreg $0x60  }
0xaf: {  	[dreg:$0x2] =	wrdreg s2  }
0xb0: {  	[dreg:$0x3] =	wrdreg s19  }
0xb1: {  	[dreg:$0x4] =	wrdreg $0x9  }
0xb2: {  	_ =	task.clear_ibuf [dreg:s8], $0x5FFFF;
	_ =	strace $0x90000046  }
0xb3: {  	s29 =	simm.s32 $0x9;
	_ =	strace $0x80000048  }
0xb4: {  	_ =	swait.ge [sflag:s29], $0x1  }
0xb5: {  	[sflag:s29] =	ssyncadd.s32 $0xFFFFFFFF  }
0xb6: {  	_ =	strace $0x90000048  }
0xb7: {  	_ =	sfence  }
0xb8: {  	s30 =	sld [smem:$0x0];
	_ =	sdelay $0x2  }
0xb9: {  	s31 =	sshll.u32 s1, $0xD;
	s1 =	sshrl.u32 s1, $0x2  }
0xba: {  	s3 =	sand.u32 $0x4000, s31;
	s1 =	sadd.s32 s1, s30  }
0xbb: {  	s0 =	sor.u32 s3, s0;
	s1 =	sshll.u32 s1, $0x11  }
0xbc: {  	s0 =	sor.u32 s1, s0  }
0xbd: {  	s0 =	sadd.s32 $0x8F2B, s0  }
0xbe: {  	[sflag:s0] =	ssyncadd.remote.s32 $0x1  }
0xbf: {  	_ =	sfence.sel $0xFFFF  }
0xc0: {  	[dreg:$0x0] =	wrdreg $0xFFFFFFFF;
	(pc) =	sbr.abs _section_cstart, $3  }
0xc1: {  	[dreg:$0x1] =	wrdreg $0xFFFFFFFF  }
0xc2: {  	_ =	task.clear_ibuf [dreg:s8], $0x2FFFF;
	_ =	strace $0x9FFFFFFF  }
0xc3: {  	(tm) =	ssettm $0x7FFFFFFF  }
tec
execute0_lowered:
.L_overlay_start_1:
0x0: {  	(tag) =	ssettag $0x1  }
0x1: {  	s0 =	srdreg.scid;
	s1 =	stileid.u32  }
0x2: {  	s3 =	rddreg [dreg:$0x1];
	s4 =	simm.s32 $0x0;
	s15 =	simm.s32 $0x7  }
0x3: {  	s16 =	simm.s32 $0x4000;
	s17 =	simm.s32 $0x1000;
	s0 =	sand.u32 $0x1, s0  }
0x4: {  	s1 =	sshll.u32 s1, $0x6;
	s2 =	sshll.u32 s0, $0x5;
	s0 =	ssub.s32 $0x2, s0  }
0x5: {  	s18 =	simm.s32 $0x20000;
	s1 =	sor.u32 s2, s1;
	s19 =	sshrl.u32 s0, $0x1  }
0x6: {  	s28 =	simm.s32 $0x4;
	s1 =	smin.u32 s1, $0x3C8;
	s0 =	ssub.s32 s0, s19  }
0x7: {  	[smem:$0x7FF] =	sst s4;
	s20 =	sshll.u32 s1, $0xB;
	s0 =	smax.u32 s0, $0x1  }
0x8: {  	_ =	strace $0x80000047;
	s21 =	sadd.s32 s3, s20;
	[dreg:$0xb] =	wrdreg s0  }
0x9: {  	s29 =	simm.s32 $0x5;
	s4 =	sadd.s32 $0x200, s21;
	[dreg:$0x3] =	wrdreg s21  }
0xa: {  	s30 =	simm.s32 $0x6;
	s22 =	sadd.s32 $0x400, s21;
	[dreg:$0x4] =	wrdreg s4  }
0xb: {  	s31 =	simm.s32 $0x0;
	s23 =	sadd.s32 $0x600, s21;
	[dreg:$0x5] =	wrdreg s22  }
0xc: {  	s19 =	simm.s32 $0x8000;
	s24 =	sadd.s32 $0x800, s21;
	[dreg:$0x6] =	wrdreg s23  }
0xd: {  	s5 =	sshll.u32 s1, $0xE;
	s25 =	sadd.s32 $0xA00, s21;
	[dreg:$0x7] =	wrdreg s24  }
0xe: {  	s20 =	simm.s32 $0xC000;
	s26 =	sadd.s32 $0x3C00, s21;
	[dreg:$0x8] =	wrdreg s25  }
0xf: {  	s2 =	sadd.s32 $0x3E00, s21;
	s21 =	simm.s32 $0x10000;
	[dreg:$0x9] =	wrdreg s26  }
0x10: {  	v1 =	vimm.f32 $9.999999740e-05;
	[dreg:$0xa] =	wrdreg s2;
	s22 =	simm.s32 $0x14000;
	s23 =	simm.s32 $0x18000  }
0x11: {  	v2 =	vlaneseq.u32;
	v3 =	vimm.f32 $9.000999930e-01;
	v0 =	vmov s1;
	s24 =	simm.s32 $0x1;
	s25 =	simm.s32 $0x2;
	s26 =	simm.s32 $0x3  }
.LBB2_1:
0x12: {  	s0 =	rddreg [dreg:$0x0];
	s1 =	simm.s32 $0x0  }
0x13: {  	[tilespmem:s1], [sflag:$0x7] =	stream.linear.gather [hbm4b:s0+s1], $0x4000, $0x38;
	[tilespmem:$0x1C000] =	vst v63  }
0x14: {  	s0 =	simm.s32 $0x0  }
.LBB2_2:
0x15: {  	s1 =	sshll.u32 s0, $0x9;
	s2 =	sshll.u32 s0, $0x7  }
0x16: {  	s4 =	simm.s32 $0x0;
	s1 =	sand.u32 $0x3000, s1;
	s2 =	sand.u32 $0x380, s2  }
0x17: {  	s14 =	sand.u32 $0xC00, s4;
	s2 =	sor.u32 s1, s2  }
0x18: {  	s4 =	sand.u32 $0x70, s4;
	s1 =	sor.u32 s14, s2  }
0x19: {  	s1 =	sor.u32 s4, s1  }
0x1a: {  	[tilespmem:s1+$0x18000] =	vst v1  }
0x1b: {  	[tilespmem:s1+$0x4000] =	vst v1  }
0x1c: {  	s7 =	simm.s32 $0x80;
	s4 =	simm.s32 $0x10;
	[tilespmem:s1+$0x8000] =	vst v1  }
.LBB2_3:
0x1d: {  	s8 =	sand.u32 $0xC00, s7  }
0x1e: {  	p0 =	sne.s32 s4, $0x1F0;
	[tilespmem:s1+$0xC000] =	vst v1;
	s9 =	smov.u32 s4;
	s4 =	sadd.s32 $0x10, s4  }
.Ltmp0:
0x1f: {  	s9 =	sand.u32 $0x70, s9;
	s8 =	sor.u32 s8, s2;
	[tilespmem:s1+$0x10000] =	vst v1;
	(pc) =	sbr.rel @p0 .LBB2_3-.Ltmp0, $4  }
0x20: {  	[tilespmem:s1+$0x14000] =	vst v1;
	s1 =	sor.u32 s9, s8  }
0x21: {  	[tilespmem:s1+$0x18000] =	vst v1  }
0x22: {  	[tilespmem:s1+$0x4000] =	vst v1  }
0x23: {  	s7 =	sadd.s32 $0x80, s7;
	[tilespmem:s1+$0x8000] =	vst v1  }
0x24: {  	s0 =	sadd.s32 $0x1, s0  }
0x25: {  	p0 =	sne.s32 s0, $0x20  }
.Ltmp1:
0x26: {  	_ = 	snop;
	(pc) =	sbr.rel @p0 .LBB2_2-.Ltmp1, $4  }
0x27: {  	_ = 	snop  }
0x28: {  	[tilespmem:s1+$0xC000] =	vst v1  }
0x29: {  	[tilespmem:s1+$0x10000] =	vst v1  }
0x2a: {  	[tilespmem:s1+$0x14000] =	vst v1  }
0x2b: {  	_ =	swait.ge [sflag:s15], $0x4000  }
0x2c: {  	[sflag:s15] =	ssyncset.done $0x0  }
0x2d: {  	s0 =	simm.s32 $0x0;
	[sflag:s15] =	ssyncadd.s32 $0xFFFFC000  }
0x2e: {  	s1 =	simm.s32 $0x10;
	s2 =	simm.s32 $0x0;
	v4 =	vld [tilespmem:s0+$0x0]  }
.LBB2_6:
0x2f: {  	p0 =	sne.s32 s1, $0x1F0;
	_ =	sdelay $0x1  }
0x30: {  	v5 =	vmov s0;
	v6 =	vor.u32 s0, v2;
	s0 =	smov.u32 s1  }
0x31: {  	v6 =	vand.u32 $0x7F, v6;
	v5 =	vshll.u32 v5, $0x3  }
0x32: {  	v5 =	vand.u32 $0xC00, v5;
	v7 =	vsub.s32 v4, v0;
	v4 =	vshll.u32 v4, $0x7  }
0x33: {  	v5 =	vor.u32 v5, v6;
	v8 =	vshll.u32 v7, $0x9;
	v4 =	vand.u32 $0x380, v4  }
0x34: {  	vm0 =	vlt.u32 v7, $0x20;
	v6 =	vand.u32 $0xFFFFF000, v8;
	v4 =	vor.u32 v4, v5  }
0x35: {  	v4 =	vor.u32 v6, v4;
	_ =	sdelay $0x1  }
.Ltmp2:
0x36: {  	(pc) =	sbr.rel @p0 .LBB2_6-.Ltmp2, $3  }
0x37: {  	_ =	sdelay $0x1  }
0x38: {  	s2 =	sadd.s32 $0x10, s2;
	[tilespmem:v4+s16+$0x0] =	vst.idx.msk vm0, v3  }
0x39: {  	s1 =	sadd.s32 $0x10, s1;
	v4 =	vld [tilespmem:s2+$0x0]  }
0x3a: {  	_ =	sdelay $0x1  }
0x3b: {  	v5 =	vmov s0;
	v6 =	vor.u32 s0, v2  }
0x3c: {  	v6 =	vand.u32 $0x7F, v6;
	v5 =	vshll.u32 v5, $0x3  }
0x3d: {  	v5 =	vand.u32 $0xC00, v5;
	v7 =	vsub.s32 v4, v0;
	v4 =	vshll.u32 v4, $0x7  }
0x3e: {  	v5 =	vor.u32 v5, v6;
	v8 =	vshll.u32 v7, $0x9;
	v4 =	vand.u32 $0x380, v4  }
0x3f: {  	vm0 =	vlt.u32 v7, $0x20;
	v63 =	vand.u32 $0xFFFFF000, v8;
	v4 =	vor.u32 v4, v5  }
0x40: {  	v4 =	vor.u32 v63, v4;
	_ =	sdelay $0x3  }
0x41: {  	s0 =	simm.s32 $0x0  }
0x42: {  	s14 =	rddreg [dreg:$0x3];
	s1 =	simm.s32 $0x10;
	s2 =	sand.u32 $0x1F0, s0;
	[tilespmem:v4+s16+$0x0] =	vst.idx.msk vm0, v3  }
0x43: {  	[hbm4b:s14+s17] =	stream.strided.scatter [tilespmem:s16], [sflag:$0x1], $0x4000, s18, s17, $0x38;
	[tilespmem:$0x1C000] =	vst v63  }
.LBB2_8:
0x44: {  	p0 =	sne.s32 s1, $0x1F0;
	v4 =	vld [tilespmem:s2+$0x200];
	_ =	sdelay $0x2  }
0x45: {  	v5 =	vmov s0;
	v6 =	vor.u32 s0, v2;
	s0 =	smov.u32 s1  }
0x46: {  	v6 =	vand.u32 $0x7F, v6;
	v5 =	vshll.u32 v5, $0x3  }
0x47: {  	v5 =	vand.u32 $0xC00, v5;
	v7 =	vsub.s32 v4, v0;
	v4 =	vshll.u32 v4, $0x7  }
0x48: {  	v5 =	vor.u32 v5, v6;
	v8 =	vshll.u32 v7, $0x9;
	v4 =	vand.u32 $0x380, v4  }
0x49: {  	vm0 =	vlt.u32 v7, $0x20;
	v6 =	vand.u32 $0xFFFFF000, v8;
	v4 =	vor.u32 v4, v5  }
0x4a: {  	v4 =	vor.u32 v6, v4  }
.Ltmp3:
0x4b: {  	(pc) =	sbr.rel @p0 .LBB2_8-.Ltmp3, $2  }
0x4c: {  	_ =	sdelay $0x2  }
0x4d: {  	s1 =	sadd.s32 $0x10, s1;
	s2 =	sand.u32 $0x1F0, s0;
	[tilespmem:v4+s19+$0x0] =	vst.idx.msk vm0, v3  }
0x4e: {  	v4 =	vld [tilespmem:s2+$0x200];
	_ =	sdelay $0x2  }
0x4f: {  	v5 =	vmov s0;
	v6 =	vor.u32 s0, v2  }
0x50: {  	v6 =	vand.u32 $0x7F, v6;
	v5 =	vshll.u32 v5, $0x3  }
0x51: {  	v5 =	vand.u32 $0xC00, v5;
	v7 =	vsub.s32 v4, v0;
	v4 =	vshll.u32 v4, $0x7  }
0x52: {  	v5 =	vor.u32 v5, v6;
	v8 =	vshll.u32 v7, $0x9;
	v4 =	vand.u32 $0x380, v4  }
0x53: {  	vm0 =	vlt.u32 v7, $0x20;
	v63 =	vand.u32 $0xFFFFF000, v8;
	v4 =	vor.u32 v4, v5  }
0x54: {  	v4 =	vor.u32 v63, v4;
	_ =	sdelay $0x3  }
0x55: {  	s0 =	simm.s32 $0x0  }
0x56: {  	s14 =	rddreg [dreg:$0x4];
	s1 =	simm.s32 $0x10;
	s2 =	sand.u32 $0x1F0, s0;
	[tilespmem:v4+s19+$0x0] =	vst.idx.msk vm0, v3  }
0x57: {  	[hbm4b:s14+s17] =	stream.strided.scatter [tilespmem:s19], [sflag:$0x2], $0x4000, s18, s17, $0x38;
	[tilespmem:$0x1C000] =	vst v63  }
.LBB2_10:
0x58: {  	p0 =	sne.s32 s1, $0x1F0;
	v4 =	vld [tilespmem:s2+$0x400];
	_ =	sdelay $0x2  }
0x59: {  	v5 =	vmov s0;
	v6 =	vor.u32 s0, v2;
	s0 =	smov.u32 s1  }
0x5a: {  	v6 =	vand.u32 $0x7F, v6;
	v5 =	vshll.u32 v5, $0x3  }
0x5b: {  	v5 =	vand.u32 $0xC00, v5;
	v7 =	vsub.s32 v4, v0;
	v4 =	vshll.u32 v4, $0x7  }
0x5c: {  	v5 =	vor.u32 v5, v6;
	v8 =	vshll.u32 v7, $0x9;
	v4 =	vand.u32 $0x380, v4  }
0x5d: {  	vm0 =	vlt.u32 v7, $0x20;
	v6 =	vand.u32 $0xFFFFF000, v8;
	v4 =	vor.u32 v4, v5  }
0x5e: {  	v4 =	vor.u32 v6, v4  }
.Ltmp4:
0x5f: {  	(pc) =	sbr.rel @p0 .LBB2_10-.Ltmp4, $2  }
0x60: {  	_ =	sdelay $0x2  }
0x61: {  	s1 =	sadd.s32 $0x10, s1;
	s2 =	sand.u32 $0x1F0, s0;
	[tilespmem:v4+s20+$0x0] =	vst.idx.msk vm0, v3  }
0x62: {  	v4 =	vld [tilespmem:s2+$0x400];
	_ =	sdelay $0x2  }
0x63: {  	v5 =	vmov s0;
	v6 =	vor.u32 s0, v2  }
0x64: {  	v6 =	vand.u32 $0x7F, v6;
	v5 =	vshll.u32 v5, $0x3  }
0x65: {  	v5 =	vand.u32 $0xC00, v5;
	v7 =	vsub.s32 v4, v0;
	v4 =	vshll.u32 v4, $0x7  }
0x66: {  	v5 =	vor.u32 v5, v6;
	v8 =	vshll.u32 v7, $0x9;
	v4 =	vand.u32 $0x380, v4  }
0x67: {  	vm0 =	vlt.u32 v7, $0x20;
	v63 =	vand.u32 $0xFFFFF000, v8;
	v4 =	vor.u32 v4, v5  }
0x68: {  	v4 =	vor.u32 v63, v4;
	_ =	sdelay $0x3  }
0x69: {  	s0 =	simm.s32 $0x0  }
0x6a: {  	s14 =	rddreg [dreg:$0x5];
	s1 =	simm.s32 $0x10;
	s2 =	sand.u32 $0x1F0, s0;
	[tilespmem:v4+s20+$0x0] =	vst.idx.msk vm0, v3  }
0x6b: {  	[hbm4b:s14+s17] =	stream.strided.scatter [tilespmem:s20], [sflag:$0x3], $0x4000, s18, s17, $0x38;
	[tilespmem:$0x1C000] =	vst v63  }
.LBB2_12:
0x6c: {  	p0 =	sne.s32 s1, $0x1F0;
	v4 =	vld [tilespmem:s2+$0x600];
	_ =	sdelay $0x2  }
0x6d: {  	v5 =	vmov s0;
	v6 =	vor.u32 s0, v2;
	s0 =	smov.u32 s1  }
0x6e: {  	v6 =	vand.u32 $0x7F, v6;
	v5 =	vshll.u32 v5, $0x3  }
0x6f: {  	v5 =	vand.u32 $0xC00, v5;
	v7 =	vsub.s32 v4, v0;
	v4 =	vshll.u32 v4, $0x7  }
0x70: {  	v5 =	vor.u32 v5, v6;
	v8 =	vshll.u32 v7, $0x9;
	v4 =	vand.u32 $0x380, v4  }
0x71: {  	vm0 =	vlt.u32 v7, $0x20;
	v6 =	vand.u32 $0xFFFFF000, v8;
	v4 =	vor.u32 v4, v5  }
0x72: {  	v4 =	vor.u32 v6, v4  }
.Ltmp5:
0x73: {  	(pc) =	sbr.rel @p0 .LBB2_12-.Ltmp5, $2  }
0x74: {  	_ =	sdelay $0x2  }
0x75: {  	s1 =	sadd.s32 $0x10, s1;
	s2 =	sand.u32 $0x1F0, s0;
	[tilespmem:v4+s21+$0x0] =	vst.idx.msk vm0, v3  }
0x76: {  	v4 =	vld [tilespmem:s2+$0x600];
	_ =	sdelay $0x2  }
0x77: {  	v5 =	vmov s0;
	v6 =	vor.u32 s0, v2  }
0x78: {  	v6 =	vand.u32 $0x7F, v6;
	v5 =	vshll.u32 v5, $0x3  }
0x79: {  	v5 =	vand.u32 $0xC00, v5;
	v7 =	vsub.s32 v4, v0;
	v4 =	vshll.u32 v4, $0x7  }
0x7a: {  	v5 =	vor.u32 v5, v6;
	v8 =	vshll.u32 v7, $0x9;
	v4 =	vand.u32 $0x380, v4  }
0x7b: {  	vm0 =	vlt.u32 v7, $0x20;
	v63 =	vand.u32 $0xFFFFF000, v8;
	v4 =	vor.u32 v4, v5  }
0x7c: {  	v4 =	vor.u32 v63, v4;
	_ =	sdelay $0x3  }
0x7d: {  	s0 =	simm.s32 $0x0  }
0x7e: {  	s14 =	rddreg [dreg:$0x6];
	s1 =	simm.s32 $0x10;
	s2 =	sand.u32 $0x1F0, s0;
	[tilespmem:v4+s21+$0x0] =	vst.idx.msk vm0, v3  }
0x7f: {  	[hbm4b:s14+s17] =	stream.strided.scatter [tilespmem:s21], [sflag:$0x4], $0x4000, s18, s17, $0x38;
	[tilespmem:$0x1C000] =	vst v63  }
.LBB2_14:
0x80: {  	p0 =	sne.s32 s1, $0x1F0;
	v4 =	vld [tilespmem:s2+$0x800];
	_ =	sdelay $0x2  }
0x81: {  	v5 =	vmov s0;
	v6 =	vor.u32 s0, v2;
	s0 =	smov.u32 s1  }
0x82: {  	v6 =	vand.u32 $0x7F, v6;
	v5 =	vshll.u32 v5, $0x3  }
0x83: {  	v5 =	vand.u32 $0xC00, v5;
	v7 =	vsub.s32 v4, v0;
	v4 =	vshll.u32 v4, $0x7  }
0x84: {  	v5 =	vor.u32 v5, v6;
	v8 =	vshll.u32 v7, $0x9;
	v4 =	vand.u32 $0x380, v4  }
0x85: {  	vm0 =	vlt.u32 v7, $0x20;
	v6 =	vand.u32 $0xFFFFF000, v8;
	v4 =	vor.u32 v4, v5  }
0x86: {  	v4 =	vor.u32 v6, v4  }
.Ltmp6:
0x87: {  	(pc) =	sbr.rel @p0 .LBB2_14-.Ltmp6, $2  }
0x88: {  	_ =	sdelay $0x2  }
0x89: {  	s1 =	sadd.s32 $0x10, s1;
	s2 =	sand.u32 $0x1F0, s0;
	[tilespmem:v4+s22+$0x0] =	vst.idx.msk vm0, v3  }
0x8a: {  	v4 =	vld [tilespmem:s2+$0x800];
	_ =	sdelay $0x2  }
0x8b: {  	v5 =	vmov s0;
	v6 =	vor.u32 s0, v2  }
0x8c: {  	v6 =	vand.u32 $0x7F, v6;
	v5 =	vshll.u32 v5, $0x3  }
0x8d: {  	v5 =	vand.u32 $0xC00, v5;
	v7 =	vsub.s32 v4, v0;
	v4 =	vshll.u32 v4, $0x7  }
0x8e: {  	v5 =	vor.u32 v5, v6;
	v8 =	vshll.u32 v7, $0x9;
	v4 =	vand.u32 $0x380, v4  }
0x8f: {  	vm0 =	vlt.u32 v7, $0x20;
	v63 =	vand.u32 $0xFFFFF000, v8;
	v4 =	vor.u32 v4, v5  }
0x90: {  	v4 =	vor.u32 v63, v4;
	_ =	sdelay $0x3  }
0x91: {  	s0 =	simm.s32 $0x0  }
0x92: {  	s14 =	rddreg [dreg:$0x7];
	s1 =	simm.s32 $0x10;
	s2 =	sand.u32 $0x1F0, s0;
	[tilespmem:v4+s22+$0x0] =	vst.idx.msk vm0, v3  }
0x93: {  	[hbm4b:s14+s17] =	stream.strided.scatter [tilespmem:s22], [sflag:$0x5], $0x4000, s18, s17, $0x38;
	[tilespmem:$0x1C000] =	vst v63  }
.LBB2_16:
0x94: {  	p0 =	sne.s32 s1, $0x1F0;
	v4 =	vld [tilespmem:s2+$0xA00];
	_ =	sdelay $0x2  }
0x95: {  	v5 =	vmov s0;
	v6 =	vor.u32 s0, v2;
	s0 =	smov.u32 s1  }
0x96: {  	v6 =	vand.u32 $0x7F, v6;
	v5 =	vshll.u32 v5, $0x3  }
0x97: {  	v5 =	vand.u32 $0xC00, v5;
	v7 =	vsub.s32 v4, v0;
	v4 =	vshll.u32 v4, $0x7  }
0x98: {  	v5 =	vor.u32 v5, v6;
	v8 =	vshll.u32 v7, $0x9;
	v4 =	vand.u32 $0x380, v4  }
0x99: {  	vm0 =	vlt.u32 v7, $0x20;
	v6 =	vand.u32 $0xFFFFF000, v8;
	v4 =	vor.u32 v4, v5  }
0x9a: {  	v4 =	vor.u32 v6, v4  }
.Ltmp7:
0x9b: {  	(pc) =	sbr.rel @p0 .LBB2_16-.Ltmp7, $2  }
0x9c: {  	_ =	sdelay $0x2  }
0x9d: {  	s1 =	sadd.s32 $0x10, s1;
	s2 =	sand.u32 $0x1F0, s0;
	[tilespmem:v4+s23+$0x0] =	vst.idx.msk vm0, v3  }
0x9e: {  	v4 =	vld [tilespmem:s2+$0xA00];
	_ =	sdelay $0x2  }
0x9f: {  	v5 =	vmov s0;
	v6 =	vor.u32 s0, v2  }
0xa0: {  	v6 =	vand.u32 $0x7F, v6;
	v5 =	vshll.u32 v5, $0x3  }
0xa1: {  	v5 =	vand.u32 $0xC00, v5;
	v7 =	vsub.s32 v4, v0;
	v4 =	vshll.u32 v4, $0x7  }
0xa2: {  	v5 =	vor.u32 v5, v6;
	v8 =	vshll.u32 v7, $0x9;
	v4 =	vand.u32 $0x380, v4  }
0xa3: {  	vm0 =	vlt.u32 v7, $0x20;
	v63 =	vand.u32 $0xFFFFF000, v8;
	v4 =	vor.u32 v4, v5  }
0xa4: {  	v4 =	vor.u32 v63, v4;
	_ =	sdelay $0x4  }
0xa5: {  	s14 =	rddreg [dreg:$0x8];
	s1 =	simm.s32 $0x0;
	s0 =	simm.s32 $0x0;
	[tilespmem:v4+s23+$0x0] =	vst.idx.msk vm0, v3  }
0xa6: {  	[hbm4b:s14+s17] =	stream.strided.scatter [tilespmem:s23], [sflag:$0x6], $0x4000, s18, s17, $0x38;
	[tilespmem:$0x1C000] =	vst v63  }
.LBB2_18:
0xa7: {  	s2 =	smul.u32 $0x3000, s0;
	_ =	sdelay $0x1  }
0xa8: {  	_ =	swait.ge [sflag:s24], $0x4000;
	s9 =	sand.u32 $0x180, s1;
	s4 =	sshra.s32 s2, $0x2  }
0xa9: {  	s10 =	sand.u32 $0x70, s1;
	[sflag:s24] =	ssyncset.done $0x0;
	s2 =	sadd.s32 s9, s4  }
0xaa: {  	[sflag:s24] =	ssyncadd.s32 $0xFFFFC000;
	s2 =	sadd.s32 s10, s2  }
0xab: {  	v4 =	vld [tilespmem:s2+$0x0];
	_ =	sdelay $0x4  }
0xac: {  	v5 =	vsub.s32 v4, v0  }
0xad: {  	v6 =	vmov s1;
	v4 =	vshll.u32 v4, $0x7;
	v7 =	vshll.u32 v5, $0x9  }
0xae: {  	v6 =	vshll.u32 v6, $0x3;
	v4 =	vand.u32 $0x380, v4;
	v7 =	vand.u32 $0xFFFFF000, v7  }
0xaf: {  	v8 =	vor.u32 s1, v2;
	v6 =	vand.u32 $0xC00, v6;
	v4 =	vor.u32 v7, v4  }
0xb0: {  	s2 =	smul.u32 $0x6, s0;
	vm0 =	vlt.u32 v5, $0x20;
	v5 =	vand.u32 $0x7F, v8;
	v4 =	vor.u32 v6, v4  }
0xb1: {  	v4 =	vor.u32 v5, v4  }
0xb2: {  	s7 =	sadd.s32 $0x6, s2  }
0xb3: {  	s8 =	sshll.u32 s7, $0x9  }
0xb4: {  	s8 =	sand.u32 $0x3FFFFC00, s8  }
0xb5: {  	s9 =	sadd.s32 s9, s8  }
0xb6: {  	s9 =	sadd.s32 s10, s9;
	[tilespmem:v4+s16+$0x0] =	vst.idx.msk vm0, v1  }
0xb7: {  	v4 =	vld [tilespmem:s9+$0x0];
	_ =	sdelay $0x4  }
0xb8: {  	v7 =	vsub.s32 v4, v0  }
0xb9: {  	v4 =	vshll.u32 v4, $0x7;
	v63 =	vshll.u32 v7, $0x9  }
0xba: {  	v4 =	vand.u32 $0x380, v4;
	v8 =	vand.u32 $0xFFFFF000, v63  }
0xbb: {  	v4 =	vor.u32 v8, v4  }
0xbc: {  	vm0 =	vlt.u32 v7, $0x20;
	v4 =	vor.u32 v6, v4  }
0xbd: {  	v4 =	vor.u32 v5, v4  }
0xbe: {  	s9 =	simm.s32 $0x10  }
0xbf: {  	s10 =	simm.s32 $0x20;
	s12 =	sand.u32 $0x180, s9  }
0xc0: {  	s11 =	sand.u32 $0x70, s9;
	s13 =	sadd.s32 s12, s4;
	s12 =	sadd.s32 s12, s8  }
.LBB2_19:
0xc1: {  	p0 =	sne.s32 s10, $0x1F0  }
0xc2: {  	s13 =	sadd.s32 s11, s13;
	[tilespmem:v4+s16+$0x0] =	vst.idx.msk vm0, v3;
	s14 =	smov.u32 s10;
	s10 =	sadd.s32 $0x10, s10  }
0xc3: {  	v4 =	vld [tilespmem:s13+$0x0];
	_ =	sdelay $0x4  }
0xc4: {  	v5 =	vsub.s32 v4, v0;
	v4 =	vshll.u32 v4, $0x7  }
0xc5: {  	v6 =	vmov s9;
	v7 =	vshll.u32 v5, $0x9  }
0xc6: {  	v6 =	vshll.u32 v6, $0x3;
	v4 =	vand.u32 $0x380, v4;
	v7 =	vand.u32 $0xFFFFF000, v7  }
0xc7: {  	v8 =	vor.u32 s9, v2;
	s9 =	smov.u32 s14;
	v6 =	vand.u32 $0xC00, v6;
	v4 =	vor.u32 v7, v4  }
0xc8: {  	vm0 =	vlt.u32 v5, $0x20;
	v5 =	vand.u32 $0x7F, v8;
	v4 =	vor.u32 v6, v4  }
0xc9: {  	v4 =	vor.u32 v5, v4;
	_ =	sdelay $0x4  }
0xca: {  	s11 =	sadd.s32 s11, s12;
	[tilespmem:v4+s16+$0x0] =	vst.idx.msk vm0, v1  }
0xcb: {  	v4 =	vld [tilespmem:s11+$0x0];
	_ =	sdelay $0x4  }
0xcc: {  	v7 =	vsub.s32 v4, v0;
	v4 =	vshll.u32 v4, $0x7  }
0xcd: {  	v8 =	vshll.u32 v7, $0x9  }
0xce: {  	v4 =	vand.u32 $0x380, v4;
	v8 =	vand.u32 $0xFFFFF000, v8  }
0xcf: {  	v4 =	vor.u32 v8, v4  }
0xd0: {  	vm0 =	vlt.u32 v7, $0x20;
	v4 =	vor.u32 v6, v4  }
.Ltmp8:
0xd1: {  	v4 =	vor.u32 v5, v4;
	(pc) =	sbr.rel @p0 .LBB2_19-.Ltmp8, $3  }
0xd2: {  	_ =	sdelay $0x1  }
0xd3: {  	s12 =	sand.u32 $0x180, s9  }
0xd4: {  	s13 =	sadd.s32 s12, s4;
	s12 =	sadd.s32 s12, s8;
	s11 =	sand.u32 $0x70, s9  }
0xd5: {  	_ =	sdelay $0x4  }
0xd6: {  	s8 =	sadd.s32 s11, s13;
	[tilespmem:v4+s16+$0x0] =	vst.idx.msk vm0, v3  }
0xd7: {  	v4 =	vld [tilespmem:s8+$0x0];
	_ =	sdelay $0x4  }
0xd8: {  	v5 =	vsub.s32 v4, v0  }
0xd9: {  	v6 =	vmov s9;
	v4 =	vshll.u32 v4, $0x7;
	v7 =	vshll.u32 v5, $0x9  }
0xda: {  	v6 =	vshll.u32 v6, $0x3;
	v4 =	vand.u32 $0x380, v4;
	v7 =	vand.u32 $0xFFFFF000, v7  }
0xdb: {  	v8 =	vor.u32 s9, v2;
	v6 =	vand.u32 $0xC00, v6;
	v4 =	vor.u32 v7, v4  }
0xdc: {  	vm0 =	vlt.u32 v5, $0x20;
	v5 =	vand.u32 $0x7F, v8;
	v4 =	vor.u32 v6, v4  }
0xdd: {  	v4 =	vor.u32 v5, v4;
	_ =	sdelay $0x4  }
0xde: {  	s6 =	sadd.s32 s11, s12;
	[tilespmem:v4+s16+$0x0] =	vst.idx.msk vm0, v1  }
0xdf: {  	v4 =	vld [tilespmem:s6+$0x0];
	_ =	sdelay $0x4  }
0xe0: {  	v7 =	vsub.s32 v4, v0  }
0xe1: {  	v4 =	vshll.u32 v4, $0x7;
	v61 =	vshll.u32 v7, $0x9  }
0xe2: {  	v4 =	vand.u32 $0x380, v4;
	v8 =	vand.u32 $0xFFFFF000, v61  }
0xe3: {  	v4 =	vor.u32 v8, v4  }
0xe4: {  	vm0 =	vlt.u32 v7, $0x20;
	v4 =	vor.u32 v6, v4  }
0xe5: {  	v4 =	vor.u32 v5, v4;
	_ =	sdelay $0x1  }
0xe6: {  	s7 =	sshll.u32 s7, $0xC  }
0xe7: {  	s7 =	sadd.s32 s5, s7  }
0xe8: {  	s7 =	sshrl.u32 s7, $0x3  }
0xe9: {  	s9 =	simm.s32 $0x0;
	s7 =	sadd.s32 s3, s7;
	[tilespmem:v4+s16+$0x0] =	vst.idx.msk vm0, v3  }
0xea: {  	[hbm4b:s7+s17] =	stream.strided.scatter [tilespmem:s16], [sflag:$0x1], $0x4000, s18, s17, $0x38;
	[tilespmem:$0x1C000] =	vst v63  }
0xeb: {  	s11 =	sand.u32 $0x180, s9;
	_ =	swait.ge [sflag:s25], $0x4000  }
0xec: {  	s10 =	sand.u32 $0x70, s9;
	s12 =	sadd.s32 s11, s4;
	[sflag:s25] =	ssyncset.done $0x0  }
0xed: {  	s8 =	sadd.s32 s10, s12;
	[sflag:s25] =	ssyncadd.s32 $0xFFFFC000  }
0xee: {  	v4 =	vld [tilespmem:s8+$0x200];
	_ =	sdelay $0x4  }
0xef: {  	v5 =	vsub.s32 v4, v0  }
0xf0: {  	v6 =	vmov s9;
	v4 =	vshll.u32 v4, $0x7;
	v7 =	vshll.u32 v5, $0x9  }
0xf1: {  	v6 =	vshll.u32 v6, $0x3;
	v4 =	vand.u32 $0x380, v4;
	v7 =	vand.u32 $0xFFFFF000, v7  }
0xf2: {  	v62 =	vor.u32 s9, v2;
	v6 =	vand.u32 $0xC00, v6;
	v4 =	vor.u32 v7, v4  }
0xf3: {  	vm0 =	vlt.u32 v5, $0x20;
	v5 =	vand.u32 $0x7F, v62;
	v4 =	vor.u32 v6, v4  }
0xf4: {  	v4 =	vor.u32 v5, v4  }
0xf5: {  	s7 =	sadd.s32 $0x7, s2  }
0xf6: {  	s13 =	sshll.u32 s7, $0x9  }
0xf7: {  	s8 =	sand.u32 $0x3FFFFE00, s13  }
0xf8: {  	s9 =	sadd.s32 s11, s8  }
0xf9: {  	s9 =	sadd.s32 s10, s9;
	[tilespmem:v4+s19+$0x0] =	vst.idx.msk vm0, v1  }
0xfa: {  	v4 =	vld [tilespmem:s9+$0x0];
	_ =	sdelay $0x4  }
0xfb: {  	v7 =	vsub.s32 v4, v0  }
0xfc: {  	v4 =	vshll.u32 v4, $0x7;
	v63 =	vshll.u32 v7, $0x9  }
0xfd: {  	v4 =	vand.u32 $0x380, v4;
	v8 =	vand.u32 $0xFFFFF000, v63  }
0xfe: {  	v4 =	vor.u32 v8, v4  }
0xff: {  	vm0 =	vlt.u32 v7, $0x20;
	v4 =	vor.u32 v6, v4  }
0x100: {  	v4 =	vor.u32 v5, v4  }
0x101: {  	s9 =	simm.s32 $0x10  }
0x102: {  	s10 =	simm.s32 $0x20;
	s14 =	sand.u32 $0x180, s9  }
0x103: {  	s11 =	sand.u32 $0x70, s9;
	s13 =	sadd.s32 s14, s4;
	s12 =	sadd.s32 s14, s8  }
.LBB2_21:
0x104: {  	p0 =	sne.s32 s10, $0x1F0  }
0x105: {  	s13 =	sadd.s32 s11, s13;
	[tilespmem:v4+s19+$0x0] =	vst.idx.msk vm0, v3;
	s14 =	smov.u32 s10;
	s10 =	sadd.s32 $0x10, s10  }
0x106: {  	v4 =	vld [tilespmem:s13+$0x200];
	_ =	sdelay $0x4  }
0x107: {  	v5 =	vsub.s32 v4, v0;
	v4 =	vshll.u32 v4, $0x7  }
0x108: {  	v6 =	vmov s9;
	v7 =	vshll.u32 v5, $0x9  }
0x109: {  	v6 =	vshll.u32 v6, $0x3;
	v4 =	vand.u32 $0x380, v4;
	v7 =	vand.u32 $0xFFFFF000, v7  }
0x10a: {  	v8 =	vor.u32 s9, v2;
	s9 =	smov.u32 s14;
	v6 =	vand.u32 $0xC00, v6;
	v4 =	vor.u32 v7, v4  }
0x10b: {  	vm0 =	vlt.u32 v5, $0x20;
	v5 =	vand.u32 $0x7F, v8;
	v4 =	vor.u32 v6, v4  }
0x10c: {  	v4 =	vor.u32 v5, v4;
	_ =	sdelay $0x4  }
0x10d: {  	s11 =	sadd.s32 s11, s12;
	[tilespmem:v4+s19+$0x0] =	vst.idx.msk vm0, v1  }
0x10e: {  	v4 =	vld [tilespmem:s11+$0x0];
	_ =	sdelay $0x4  }
0x10f: {  	v7 =	vsub.s32 v4, v0;
	v4 =	vshll.u32 v4, $0x7  }
0x110: {  	v8 =	vshll.u32 v7, $0x9  }
0x111: {  	v4 =	vand.u32 $0x380, v4;
	v8 =	vand.u32 $0xFFFFF000, v8  }
0x112: {  	v4 =	vor.u32 v8, v4  }
0x113: {  	vm0 =	vlt.u32 v7, $0x20;
	v4 =	vor.u32 v6, v4  }
.Ltmp9:
0x114: {  	v4 =	vor.u32 v5, v4;
	(pc) =	sbr.rel @p0 .LBB2_21-.Ltmp9, $3  }
0x115: {  	_ =	sdelay $0x1  }
0x116: {  	s12 =	sand.u32 $0x180, s9  }
0x117: {  	s13 =	sadd.s32 s12, s4;
	s12 =	sadd.s32 s12, s8;
	s11 =	sand.u32 $0x70, s9  }
0x118: {  	_ =	sdelay $0x4  }
0x119: {  	s8 =	sadd.s32 s11, s13;
	[tilespmem:v4+s19+$0x0] =	vst.idx.msk vm0, v3  }
0x11a: {  	v4 =	vld [tilespmem:s8+$0x200];
	_ =	sdelay $0x4  }
0x11b: {  	v5 =	vsub.s32 v4, v0  }
0x11c: {  	v6 =	vmov s9;
	v4 =	vshll.u32 v4, $0x7;
	v7 =	vshll.u32 v5, $0x9  }
0x11d: {  	v6 =	vshll.u32 v6, $0x3;
	v4 =	vand.u32 $0x380, v4;
	v7 =	vand.u32 $0xFFFFF000, v7  }
0x11e: {  	v8 =	vor.u32 s9, v2;
	v6 =	vand.u32 $0xC00, v6;
	v4 =	vor.u32 v7, v4  }
0x11f: {  	vm0 =	vlt.u32 v5, $0x20;
	v5 =	vand.u32 $0x7F, v8;
	v4 =	vor.u32 v6, v4  }
0x120: {  	v4 =	vor.u32 v5, v4;
	_ =	sdelay $0x4  }
0x121: {  	s10 =	sadd.s32 s11, s12;
	[tilespmem:v4+s19+$0x0] =	vst.idx.msk vm0, v1  }
0x122: {  	v4 =	vld [tilespmem:s10+$0x0];
	_ =	sdelay $0x4  }
0x123: {  	v7 =	vsub.s32 v4, v0  }
0x124: {  	v4 =	vshll.u32 v4, $0x7;
	v61 =	vshll.u32 v7, $0x9  }
0x125: {  	v4 =	vand.u32 $0x380, v4;
	v8 =	vand.u32 $0xFFFFF000, v61  }
0x126: {  	v4 =	vor.u32 v8, v4  }
0x127: {  	vm0 =	vlt.u32 v7, $0x20;
	v4 =	vor.u32 v6, v4  }
0x128: {  	v4 =	vor.u32 v5, v4;
	_ =	sdelay $0x1  }
0x129: {  	s7 =	sshll.u32 s7, $0xC  }
0x12a: {  	s7 =	sadd.s32 s5, s7  }
0x12b: {  	s7 =	sshrl.u32 s7, $0x3  }
0x12c: {  	s11 =	simm.s32 $0x0;
	s7 =	sadd.s32 s3, s7;
	[tilespmem:v4+s19+$0x0] =	vst.idx.msk vm0, v3  }
0x12d: {  	[hbm4b:s7+s17] =	stream.strided.scatter [tilespmem:s19], [sflag:$0x2], $0x4000, s18, s17, $0x38;
	[tilespmem:$0x1C000] =	vst v63  }
0x12e: {  	s8 =	sadd.s32 $0x400, s4;
	s10 =	sand.u32 $0x180, s11;
	_ =	swait.ge [sflag:s26], $0x4000  }
0x12f: {  	s12 =	sand.u32 $0x70, s11;
	s13 =	sadd.s32 s10, s8;
	[sflag:s26] =	ssyncset.done $0x0  }
0x130: {  	s9 =	sadd.s32 s12, s13;
	[sflag:s26] =	ssyncadd.s32 $0xFFFFC000  }
0x131: {  	v4 =	vld [tilespmem:s9+$0x0];
	_ =	sdelay $0x4  }
0x132: {  	v5 =	vsub.s32 v4, v0  }
0x133: {  	v6 =	vmov s11;
	v4 =	vshll.u32 v4, $0x7;
	v7 =	vshll.u32 v5, $0x9  }
0x134: {  	v6 =	vshll.u32 v6, $0x3;
	v4 =	vand.u32 $0x380, v4;
	v7 =	vand.u32 $0xFFFFF000, v7  }
0x135: {  	v62 =	vor.u32 s11, v2;
	v6 =	vand.u32 $0xC00, v6;
	v4 =	vor.u32 v7, v4  }
0x136: {  	vm0 =	vlt.u32 v5, $0x20;
	v5 =	vand.u32 $0x7F, v62;
	v4 =	vor.u32 v6, v4  }
0x137: {  	v4 =	vor.u32 v5, v4  }
0x138: {  	s7 =	sadd.s32 $0x8, s2  }
0x139: {  	s14 =	sshll.u32 s7, $0x9  }
0x13a: {  	s9 =	sand.u32 $0x3FFFFE00, s14  }
0x13b: {  	s10 =	sadd.s32 s10, s9  }
0x13c: {  	s10 =	sadd.s32 s12, s10;
	[tilespmem:v4+s20+$0x0] =	vst.idx.msk vm0, v1  }
0x13d: {  	v4 =	vld [tilespmem:s10+$0x0];
	_ =	sdelay $0x4  }
0x13e: {  	v7 =	vsub.s32 v4, v0  }
0x13f: {  	v4 =	vshll.u32 v4, $0x7;
	v63 =	vshll.u32 v7, $0x9  }
0x140: {  	v4 =	vand.u32 $0x380, v4;
	v8 =	vand.u32 $0xFFFFF000, v63  }
0x141: {  	v4 =	vor.u32 v8, v4  }
0x142: {  	vm0 =	vlt.u32 v7, $0x20;
	v4 =	vor.u32 v6, v4  }
0x143: {  	v4 =	vor.u32 v5, v4  }
0x144: {  	s10 =	simm.s32 $0x10  }
0x145: {  	s11 =	simm.s32 $0x20;
	s6 =	sand.u32 $0x180, s10  }
0x146: {  	s12 =	sand.u32 $0x70, s10;
	s14 =	sadd.s32 s6, s8;
	s13 =	sadd.s32 s6, s9  }
.LBB2_23:
0x147: {  	p0 =	sne.s32 s11, $0x1F0  }
0x148: {  	s14 =	sadd.s32 s12, s14;
	[tilespmem:v4+s20+$0x0] =	vst.idx.msk vm0, v3;
	s6 =	smov.u32 s11;
	s11 =	sadd.s32 $0x10, s11  }
0x149: {  	v4 =	vld [tilespmem:s14+$0x0];
	_ =	sdelay $0x4  }
0x14a: {  	v5 =	vsub.s32 v4, v0;
	v4 =	vshll.u32 v4, $0x7  }
0x14b: {  	v6 =	vmov s10;
	v7 =	vshll.u32 v5, $0x9  }
0x14c: {  	v6 =	vshll.u32 v6, $0x3;
	v4 =	vand.u32 $0x380, v4;
	v7 =	vand.u32 $0xFFFFF000, v7  }
0x14d: {  	v8 =	vor.u32 s10, v2;
	s10 =	smov.u32 s6;
	v6 =	vand.u32 $0xC00, v6;
	v4 =	vor.u32 v7, v4  }
0x14e: {  	vm0 =	vlt.u32 v5, $0x20;
	v5 =	vand.u32 $0x7F, v8;
	v4 =	vor.u32 v6, v4  }
0x14f: {  	v4 =	vor.u32 v5, v4;
	_ =	sdelay $0x4  }
0x150: {  	s6 =	sadd.s32 s12, s13;
	[tilespmem:v4+s20+$0x0] =	vst.idx.msk vm0, v1  }
0x151: {  	v4 =	vld [tilespmem:s6+$0x0];
	_ =	sdelay $0x4  }
0x152: {  	v7 =	vsub.s32 v4, v0;
	v4 =	vshll.u32 v4, $0x7  }
0x153: {  	v8 =	vshll.u32 v7, $0x9  }
0x154: {  	v4 =	vand.u32 $0x380, v4;
	v8 =	vand.u32 $0xFFFFF000, v8  }
0x155: {  	v4 =	vor.u32 v8, v4  }
0x156: {  	vm0 =	vlt.u32 v7, $0x20;
	v4 =	vor.u32 v6, v4  }
.Ltmp10:
0x157: {  	v4 =	vor.u32 v5, v4;
	(pc) =	sbr.rel @p0 .LBB2_23-.Ltmp10, $3  }
0x158: {  	_ =	sdelay $0x1  }
0x159: {  	s6 =	sand.u32 $0x180, s10  }
0x15a: {  	s12 =	sand.u32 $0x70, s10;
	s14 =	sadd.s32 s6, s8;
	s13 =	sadd.s32 s6, s9  }
0x15b: {  	_ =	sdelay $0x4  }
0x15c: {  	s6 =	sadd.s32 s12, s14;
	[tilespmem:v4+s20+$0x0] =	vst.idx.msk vm0, v3  }
0x15d: {  	v4 =	vld [tilespmem:s6+$0x0];
	_ =	sdelay $0x4  }
0x15e: {  	v5 =	vsub.s32 v4, v0  }
0x15f: {  	v6 =	vmov s10;
	v4 =	vshll.u32 v4, $0x7;
	v7 =	vshll.u32 v5, $0x9  }
0x160: {  	v6 =	vshll.u32 v6, $0x3;
	v4 =	vand.u32 $0x380, v4;
	v7 =	vand.u32 $0xFFFFF000, v7  }
0x161: {  	v8 =	vor.u32 s10, v2;
	v6 =	vand.u32 $0xC00, v6;
	v4 =	vor.u32 v7, v4  }
0x162: {  	vm0 =	vlt.u32 v5, $0x20;
	v5 =	vand.u32 $0x7F, v8;
	v4 =	vor.u32 v6, v4  }
0x163: {  	v4 =	vor.u32 v5, v4;
	_ =	sdelay $0x4  }
0x164: {  	s11 =	sadd.s32 s12, s13;
	[tilespmem:v4+s20+$0x0] =	vst.idx.msk vm0, v1  }
0x165: {  	v4 =	vld [tilespmem:s11+$0x0];
	_ =	sdelay $0x4  }
0x166: {  	v7 =	vsub.s32 v4, v0  }
0x167: {  	v4 =	vshll.u32 v4, $0x7;
	v61 =	vshll.u32 v7, $0x9  }
0x168: {  	v4 =	vand.u32 $0x380, v4;
	v8 =	vand.u32 $0xFFFFF000, v61  }
0x169: {  	v4 =	vor.u32 v8, v4  }
0x16a: {  	vm0 =	vlt.u32 v7, $0x20;
	v4 =	vor.u32 v6, v4  }
0x16b: {  	v4 =	vor.u32 v5, v4;
	_ =	sdelay $0x1  }
0x16c: {  	s12 =	sshll.u32 s7, $0xC  }
0x16d: {  	s6 =	sadd.s32 s5, s12  }
0x16e: {  	s6 =	sshrl.u32 s6, $0x3  }
0x16f: {  	s13 =	simm.s32 $0x0;
	s6 =	sadd.s32 s3, s6;
	[tilespmem:v4+s20+$0x0] =	vst.idx.msk vm0, v3  }
0x170: {  	[hbm4b:s6+s17] =	stream.strided.scatter [tilespmem:s20], [sflag:$0x3], $0x4000, s18, s17, $0x38;
	[tilespmem:$0x1C000] =	vst v63  }
0x171: {  	s8 =	sadd.s32 $0x600, s4;
	s14 =	sand.u32 $0x180, s13;
	_ =	swait.ge [sflag:s28], $0x4000  }
0x172: {  	s9 =	sadd.s32 s14, s8;
	s11 =	sand.u32 $0x70, s13;
	[sflag:s28] =	ssyncset.done $0x0  }
0x173: {  	s7 =	sadd.s32 s11, s9;
	[sflag:s28] =	ssyncadd.s32 $0xFFFFC000  }
0x174: {  	v4 =	vld [tilespmem:s7+$0x0];
	_ =	sdelay $0x4  }
0x175: {  	v5 =	vsub.s32 v4, v0  }
0x176: {  	v6 =	vmov s13;
	v4 =	vshll.u32 v4, $0x7;
	v7 =	vshll.u32 v5, $0x9  }
0x177: {  	v6 =	vshll.u32 v6, $0x3;
	v4 =	vand.u32 $0x380, v4;
	v7 =	vand.u32 $0xFFFFF000, v7  }
0x178: {  	v62 =	vor.u32 s13, v2;
	v6 =	vand.u32 $0xC00, v6;
	v4 =	vor.u32 v7, v4  }
0x179: {  	vm0 =	vlt.u32 v5, $0x20;
	v5 =	vand.u32 $0x7F, v62;
	v4 =	vor.u32 v6, v4  }
0x17a: {  	v4 =	vor.u32 v5, v4  }
0x17b: {  	s7 =	sadd.s32 $0x9, s2  }
0x17c: {  	s12 =	sshll.u32 s7, $0x9  }
0x17d: {  	s9 =	sand.u32 $0x3FFFFE00, s12  }
0x17e: {  	s6 =	sadd.s32 s14, s9  }
0x17f: {  	s6 =	sadd.s32 s11, s6;
	[tilespmem:v4+s21+$0x0] =	vst.idx.msk vm0, v1  }
0x180: {  	v4 =	vld [tilespmem:s6+$0x0];
	_ =	sdelay $0x4  }
0x181: {  	v7 =	vsub.s32 v4, v0  }
0x182: {  	v4 =	vshll.u32 v4, $0x7;
	v63 =	vshll.u32 v7, $0x9  }
0x183: {  	v4 =	vand.u32 $0x380, v4;
	v8 =	vand.u32 $0xFFFFF000, v63  }
0x184: {  	v4 =	vor.u32 v8, v4  }
0x185: {  	vm0 =	vlt.u32 v7, $0x20;
	v4 =	vor.u32 v6, v4  }
0x186: {  	v4 =	vor.u32 v5, v4  }
0x187: {  	s10 =	simm.s32 $0x10  }
0x188: {  	s13 =	sand.u32 $0x180, s10;
	s12 =	sand.u32 $0x70, s10  }
0x189: {  	s14 =	sadd.s32 s13, s8;
	s13 =	sadd.s32 s13, s9;
	s11 =	simm.s32 $0x20  }
.LBB2_25:
0x18a: {  	p0 =	sne.s32 s11, $0x1F0  }
0x18b: {  	s6 =	sadd.s32 s12, s14;
	[tilespmem:v4+s21+$0x0] =	vst.idx.msk vm0, v3;
	s14 =	smov.u32 s11;
	s11 =	sadd.s32 $0x10, s11  }
0x18c: {  	v4 =	vld [tilespmem:s6+$0x0];
	_ =	sdelay $0x4  }
0x18d: {  	v5 =	vsub.s32 v4, v0;
	v4 =	vshll.u32 v4, $0x7  }
0x18e: {  	v6 =	vmov s10;
	v7 =	vshll.u32 v5, $0x9  }
0x18f: {  	v6 =	vshll.u32 v6, $0x3;
	v4 =	vand.u32 $0x380, v4;
	v7 =	vand.u32 $0xFFFFF000, v7  }
0x190: {  	v8 =	vor.u32 s10, v2;
	s10 =	smov.u32 s14;
	v6 =	vand.u32 $0xC00, v6;
	v4 =	vor.u32 v7, v4  }
0x191: {  	vm0 =	vlt.u32 v5, $0x20;
	v5 =	vand.u32 $0x7F, v8;
	v4 =	vor.u32 v6, v4  }
0x192: {  	v4 =	vor.u32 v5, v4;
	_ =	sdelay $0x4  }
0x193: {  	s6 =	sadd.s32 s12, s13;
	[tilespmem:v4+s21+$0x0] =	vst.idx.msk vm0, v1  }
0x194: {  	v4 =	vld [tilespmem:s6+$0x0];
	_ =	sdelay $0x4  }
0x195: {  	v7 =	vsub.s32 v4, v0;
	v4 =	vshll.u32 v4, $0x7  }
0x196: {  	v8 =	vshll.u32 v7, $0x9  }
0x197: {  	v4 =	vand.u32 $0x380, v4;
	v8 =	vand.u32 $0xFFFFF000, v8  }
0x198: {  	v4 =	vor.u32 v8, v4  }
0x199: {  	vm0 =	vlt.u32 v7, $0x20;
	v4 =	vor.u32 v6, v4  }
.Ltmp11:
0x19a: {  	v4 =	vor.u32 v5, v4;
	(pc) =	sbr.rel @p0 .LBB2_25-.Ltmp11, $3  }
0x19b: {  	_ =	sdelay $0x1  }
0x19c: {  	s6 =	sand.u32 $0x180, s10  }
0x19d: {  	s12 =	sand.u32 $0x70, s10;
	s14 =	sadd.s32 s6, s8;
	s13 =	sadd.s32 s6, s9  }
0x19e: {  	_ =	sdelay $0x4  }
0x19f: {  	s6 =	sadd.s32 s12, s14;
	[tilespmem:v4+s21+$0x0] =	vst.idx.msk vm0, v3  }
0x1a0: {  	v4 =	vld [tilespmem:s6+$0x0];
	_ =	sdelay $0x4  }
0x1a1: {  	v5 =	vsub.s32 v4, v0  }
0x1a2: {  	v6 =	vmov s10;
	v4 =	vshll.u32 v4, $0x7;
	v7 =	vshll.u32 v5, $0x9  }
0x1a3: {  	v6 =	vshll.u32 v6, $0x3;
	v4 =	vand.u32 $0x380, v4;
	v7 =	vand.u32 $0xFFFFF000, v7  }
0x1a4: {  	v8 =	vor.u32 s10, v2;
	v6 =	vand.u32 $0xC00, v6;
	v4 =	vor.u32 v7, v4  }
0x1a5: {  	vm0 =	vlt.u32 v5, $0x20;
	v5 =	vand.u32 $0x7F, v8;
	v4 =	vor.u32 v6, v4  }
0x1a6: {  	v4 =	vor.u32 v5, v4;
	_ =	sdelay $0x4  }
0x1a7: {  	s11 =	sadd.s32 s12, s13;
	[tilespmem:v4+s21+$0x0] =	vst.idx.msk vm0, v1  }
0x1a8: {  	v4 =	vld [tilespmem:s11+$0x0];
	_ =	sdelay $0x4  }
0x1a9: {  	v7 =	vsub.s32 v4, v0  }
0x1aa: {  	v4 =	vshll.u32 v4, $0x7;
	v61 =	vshll.u32 v7, $0x9  }
0x1ab: {  	v4 =	vand.u32 $0x380, v4;
	v8 =	vand.u32 $0xFFFFF000, v61  }
0x1ac: {  	v4 =	vor.u32 v8, v4  }
0x1ad: {  	vm0 =	vlt.u32 v7, $0x20;
	v4 =	vor.u32 v6, v4  }
0x1ae: {  	v4 =	vor.u32 v5, v4;
	_ =	sdelay $0x1  }
0x1af: {  	s12 =	sshll.u32 s7, $0xC  }
0x1b0: {  	s6 =	sadd.s32 s5, s12  }
0x1b1: {  	s6 =	sshrl.u32 s6, $0x3  }
0x1b2: {  	s13 =	simm.s32 $0x0;
	s6 =	sadd.s32 s3, s6;
	[tilespmem:v4+s21+$0x0] =	vst.idx.msk vm0, v3  }
0x1b3: {  	[hbm4b:s6+s17] =	stream.strided.scatter [tilespmem:s21], [sflag:$0x4], $0x4000, s18, s17, $0x38;
	[tilespmem:$0x1C000] =	vst v63  }
0x1b4: {  	s8 =	sadd.s32 $0x800, s4;
	s14 =	sand.u32 $0x180, s13;
	_ =	swait.ge [sflag:s29], $0x4000  }
0x1b5: {  	s9 =	sadd.s32 s14, s8;
	s11 =	sand.u32 $0x70, s13;
	[sflag:s29] =	ssyncset.done $0x0  }
0x1b6: {  	s7 =	sadd.s32 s11, s9;
	[sflag:s29] =	ssyncadd.s32 $0xFFFFC000  }
0x1b7: {  	v4 =	vld [tilespmem:s7+$0x0];
	_ =	sdelay $0x4  }
0x1b8: {  	v5 =	vsub.s32 v4, v0  }
0x1b9: {  	v6 =	vmov s13;
	v4 =	vshll.u32 v4, $0x7;
	v7 =	vshll.u32 v5, $0x9  }
0x1ba: {  	v6 =	vshll.u32 v6, $0x3;
	v4 =	vand.u32 $0x380, v4;
	v7 =	vand.u32 $0xFFFFF000, v7  }
0x1bb: {  	v62 =	vor.u32 s13, v2;
	v6 =	vand.u32 $0xC00, v6;
	v4 =	vor.u32 v7, v4  }
0x1bc: {  	vm0 =	vlt.u32 v5, $0x20;
	v5 =	vand.u32 $0x7F, v62;
	v4 =	vor.u32 v6, v4  }
0x1bd: {  	v4 =	vor.u32 v5, v4  }
0x1be: {  	s7 =	sadd.s32 $0xA, s2  }
0x1bf: {  	s12 =	sshll.u32 s7, $0x9  }
0x1c0: {  	s9 =	sand.u32 $0x3FFFFE00, s12  }
0x1c1: {  	s6 =	sadd.s32 s14, s9  }
0x1c2: {  	s6 =	sadd.s32 s11, s6;
	[tilespmem:v4+s22+$0x0] =	vst.idx.msk vm0, v1  }
0x1c3: {  	v4 =	vld [tilespmem:s6+$0x0];
	_ =	sdelay $0x4  }
0x1c4: {  	v7 =	vsub.s32 v4, v0  }
0x1c5: {  	v4 =	vshll.u32 v4, $0x7;
	v63 =	vshll.u32 v7, $0x9  }
0x1c6: {  	v4 =	vand.u32 $0x380, v4;
	v8 =	vand.u32 $0xFFFFF000, v63  }
0x1c7: {  	v4 =	vor.u32 v8, v4  }
0x1c8: {  	vm0 =	vlt.u32 v7, $0x20;
	v4 =	vor.u32 v6, v4  }
0x1c9: {  	v4 =	vor.u32 v5, v4  }
0x1ca: {  	s10 =	simm.s32 $0x10  }
0x1cb: {  	s13 =	sand.u32 $0x180, s10;
	s12 =	sand.u32 $0x70, s10  }
0x1cc: {  	s14 =	sadd.s32 s13, s8;
	s13 =	sadd.s32 s13, s9;
	s11 =	simm.s32 $0x20  }
.LBB2_27:
0x1cd: {  	p0 =	sne.s32 s11, $0x1F0  }
0x1ce: {  	s6 =	sadd.s32 s12, s14;
	[tilespmem:v4+s22+$0x0] =	vst.idx.msk vm0, v3;
	s14 =	smov.u32 s11;
	s11 =	sadd.s32 $0x10, s11  }
0x1cf: {  	v4 =	vld [tilespmem:s6+$0x0];
	_ =	sdelay $0x4  }
0x1d0: {  	v5 =	vsub.s32 v4, v0;
	v4 =	vshll.u32 v4, $0x7  }
0x1d1: {  	v6 =	vmov s10;
	v7 =	vshll.u32 v5, $0x9  }
0x1d2: {  	v6 =	vshll.u32 v6, $0x3;
	v4 =	vand.u32 $0x380, v4;
	v7 =	vand.u32 $0xFFFFF000, v7  }
0x1d3: {  	v8 =	vor.u32 s10, v2;
	s10 =	smov.u32 s14;
	v6 =	vand.u32 $0xC00, v6;
	v4 =	vor.u32 v7, v4  }
0x1d4: {  	vm0 =	vlt.u32 v5, $0x20;
	v5 =	vand.u32 $0x7F, v8;
	v4 =	vor.u32 v6, v4  }
0x1d5: {  	v4 =	vor.u32 v5, v4;
	_ =	sdelay $0x4  }
0x1d6: {  	s6 =	sadd.s32 s12, s13;
	[tilespmem:v4+s22+$0x0] =	vst.idx.msk vm0, v1  }
0x1d7: {  	v4 =	vld [tilespmem:s6+$0x0];
	_ =	sdelay $0x4  }
0x1d8: {  	v7 =	vsub.s32 v4, v0;
	v4 =	vshll.u32 v4, $0x7  }
0x1d9: {  	v8 =	vshll.u32 v7, $0x9  }
0x1da: {  	v4 =	vand.u32 $0x380, v4;
	v8 =	vand.u32 $0xFFFFF000, v8  }
0x1db: {  	v4 =	vor.u32 v8, v4  }
0x1dc: {  	vm0 =	vlt.u32 v7, $0x20;
	v4 =	vor.u32 v6, v4  }
.Ltmp12:
0x1dd: {  	v4 =	vor.u32 v5, v4;
	(pc) =	sbr.rel @p0 .LBB2_27-.Ltmp12, $3  }
0x1de: {  	_ =	sdelay $0x1  }
0x1df: {  	s6 =	sand.u32 $0x180, s10  }
0x1e0: {  	s12 =	sand.u32 $0x70, s10;
	s14 =	sadd.s32 s6, s8;
	s13 =	sadd.s32 s6, s9  }
0x1e1: {  	_ =	sdelay $0x4  }
0x1e2: {  	s6 =	sadd.s32 s12, s14;
	[tilespmem:v4+s22+$0x0] =	vst.idx.msk vm0, v3  }
0x1e3: {  	v4 =	vld [tilespmem:s6+$0x0];
	_ =	sdelay $0x4  }
0x1e4: {  	v5 =	vsub.s32 v4, v0  }
0x1e5: {  	v6 =	vmov s10;
	v4 =	vshll.u32 v4, $0x7;
	v7 =	vshll.u32 v5, $0x9  }
0x1e6: {  	v6 =	vshll.u32 v6, $0x3;
	v4 =	vand.u32 $0x380, v4;
	v7 =	vand.u32 $0xFFFFF000, v7  }
0x1e7: {  	v8 =	vor.u32 s10, v2;
	v6 =	vand.u32 $0xC00, v6;
	v4 =	vor.u32 v7, v4  }
0x1e8: {  	vm0 =	vlt.u32 v5, $0x20;
	v5 =	vand.u32 $0x7F, v8;
	v4 =	vor.u32 v6, v4  }
0x1e9: {  	v4 =	vor.u32 v5, v4;
	_ =	sdelay $0x4  }
0x1ea: {  	s9 =	sadd.s32 s12, s13;
	[tilespmem:v4+s22+$0x0] =	vst.idx.msk vm0, v1  }
0x1eb: {  	v4 =	vld [tilespmem:s9+$0x0];
	_ =	sdelay $0x4  }
0x1ec: {  	v7 =	vsub.s32 v4, v0  }
0x1ed: {  	v4 =	vshll.u32 v4, $0x7;
	v61 =	vshll.u32 v7, $0x9  }
0x1ee: {  	v4 =	vand.u32 $0x380, v4;
	v8 =	vand.u32 $0xFFFFF000, v61  }
0x1ef: {  	v4 =	vor.u32 v8, v4  }
0x1f0: {  	vm0 =	vlt.u32 v7, $0x20;
	v4 =	vor.u32 v6, v4  }
0x1f1: {  	v4 =	vor.u32 v5, v4;
	_ =	sdelay $0x1  }
0x1f2: {  	s10 =	sshll.u32 s7, $0xC  }
0x1f3: {  	s6 =	sadd.s32 s5, s10  }
0x1f4: {  	s6 =	sshrl.u32 s6, $0x3  }
0x1f5: {  	s11 =	simm.s32 $0x0;
	s6 =	sadd.s32 s3, s6;
	[tilespmem:v4+s22+$0x0] =	vst.idx.msk vm0, v3  }
0x1f6: {  	[hbm4b:s6+s17] =	stream.strided.scatter [tilespmem:s22], [sflag:$0x5], $0x4000, s18, s17, $0x38;
	[tilespmem:$0x1C000] =	vst v63  }
0x1f7: {  	s4 =	sadd.s32 $0xA00, s4;
	s8 =	sand.u32 $0x180, s11;
	_ =	swait.ge [sflag:s30], $0x4000  }
0x1f8: {  	s12 =	sadd.s32 s8, s4;
	s9 =	sand.u32 $0x70, s11;
	[sflag:s30] =	ssyncset.done $0x0  }
0x1f9: {  	s7 =	sadd.s32 s9, s12;
	[sflag:s30] =	ssyncadd.s32 $0xFFFFC000  }
0x1fa: {  	v4 =	vld [tilespmem:s7+$0x0];
	_ =	sdelay $0x4  }
0x1fb: {  	v5 =	vsub.s32 v4, v0  }
0x1fc: {  	v6 =	vmov s11;
	v4 =	vshll.u32 v4, $0x7;
	v7 =	vshll.u32 v5, $0x9  }
0x1fd: {  	v6 =	vshll.u32 v6, $0x3;
	v4 =	vand.u32 $0x380, v4;
	v7 =	vand.u32 $0xFFFFF000, v7  }
0x1fe: {  	v62 =	vor.u32 s11, v2;
	v6 =	vand.u32 $0xC00, v6;
	v4 =	vor.u32 v7, v4  }
0x1ff: {  	vm0 =	vlt.u32 v5, $0x20;
	v5 =	vand.u32 $0x7F, v62;
	v4 =	vor.u32 v6, v4  }
0x200: {  	v4 =	vor.u32 v5, v4  }
0x201: {  	s2 =	sadd.s32 $0xB, s2  }
0x202: {  	s13 =	sshll.u32 s2, $0x9  }
0x203: {  	s7 =	sand.u32 $0x3FFFFE00, s13  }
0x204: {  	s6 =	sadd.s32 s8, s7  }
0x205: {  	s6 =	sadd.s32 s9, s6;
	[tilespmem:v4+s23+$0x0] =	vst.idx.msk vm0, v1  }
0x206: {  	v4 =	vld [tilespmem:s6+$0x0];
	_ =	sdelay $0x4  }
0x207: {  	v7 =	vsub.s32 v4, v0  }
0x208: {  	v4 =	vshll.u32 v4, $0x7;
	v63 =	vshll.u32 v7, $0x9  }
0x209: {  	v4 =	vand.u32 $0x380, v4;
	v8 =	vand.u32 $0xFFFFF000, v63  }
0x20a: {  	v4 =	vor.u32 v8, v4  }
0x20b: {  	vm0 =	vlt.u32 v7, $0x20;
	v4 =	vor.u32 v6, v4  }
0x20c: {  	v4 =	vor.u32 v5, v4  }
0x20d: {  	s8 =	simm.s32 $0x10  }
0x20e: {  	s9 =	simm.s32 $0x20;
	s14 =	sand.u32 $0x180, s8  }
0x20f: {  	s10 =	sand.u32 $0x70, s8;
	s12 =	sadd.s32 s14, s4;
	s11 =	sadd.s32 s14, s7  }
.LBB2_29:
0x210: {  	p0 =	sne.s32 s9, $0x1F0  }
0x211: {  	s6 =	sadd.s32 s10, s12;
	[tilespmem:v4+s23+$0x0] =	vst.idx.msk vm0, v3;
	s12 =	smov.u32 s9;
	s9 =	sadd.s32 $0x10, s9  }
0x212: {  	v4 =	vld [tilespmem:s6+$0x0];
	_ =	sdelay $0x4  }
0x213: {  	v5 =	vsub.s32 v4, v0;
	v4 =	vshll.u32 v4, $0x7  }
0x214: {  	v6 =	vmov s8;
	v7 =	vshll.u32 v5, $0x9  }
0x215: {  	v6 =	vshll.u32 v6, $0x3;
	v4 =	vand.u32 $0x380, v4;
	v7 =	vand.u32 $0xFFFFF000, v7  }
0x216: {  	v8 =	vor.u32 s8, v2;
	s8 =	smov.u32 s12;
	v6 =	vand.u32 $0xC00, v6;
	v4 =	vor.u32 v7, v4  }
0x217: {  	vm0 =	vlt.u32 v5, $0x20;
	v5 =	vand.u32 $0x7F, v8;
	v4 =	vor.u32 v6, v4  }
0x218: {  	v4 =	vor.u32 v5, v4;
	_ =	sdelay $0x4  }
0x219: {  	s6 =	sadd.s32 s10, s11;
	[tilespmem:v4+s23+$0x0] =	vst.idx.msk vm0, v1  }
0x21a: {  	v4 =	vld [tilespmem:s6+$0x0];
	_ =	sdelay $0x4  }
0x21b: {  	v7 =	vsub.s32 v4, v0;
	v4 =	vshll.u32 v4, $0x7  }
0x21c: {  	v8 =	vshll.u32 v7, $0x9  }
0x21d: {  	v4 =	vand.u32 $0x380, v4;
	v8 =	vand.u32 $0xFFFFF000, v8  }
0x21e: {  	v4 =	vor.u32 v8, v4  }
0x21f: {  	vm0 =	vlt.u32 v7, $0x20;
	v4 =	vor.u32 v6, v4  }
.Ltmp13:
0x220: {  	v4 =	vor.u32 v5, v4;
	(pc) =	sbr.rel @p0 .LBB2_29-.Ltmp13, $3  }
0x221: {  	_ =	sdelay $0x1  }
0x222: {  	s6 =	sand.u32 $0x180, s8  }
0x223: {  	s10 =	sand.u32 $0x70, s8;
	s12 =	sadd.s32 s6, s4;
	s11 =	sadd.s32 s6, s7  }
0x224: {  	_ =	sdelay $0x4  }
0x225: {  	s4 =	sadd.s32 s10, s12;
	[tilespmem:v4+s23+$0x0] =	vst.idx.msk vm0, v3  }
0x226: {  	v4 =	vld [tilespmem:s4+$0x0];
	_ =	sdelay $0x4  }
0x227: {  	v5 =	vsub.s32 v4, v0  }
0x228: {  	v6 =	vmov s8;
	v4 =	vshll.u32 v4, $0x7;
	v7 =	vshll.u32 v5, $0x9  }
0x229: {  	v6 =	vshll.u32 v6, $0x3;
	v4 =	vand.u32 $0x380, v4;
	v7 =	vand.u32 $0xFFFFF000, v7  }
0x22a: {  	v8 =	vor.u32 s8, v2;
	v6 =	vand.u32 $0xC00, v6;
	v4 =	vor.u32 v7, v4  }
0x22b: {  	vm14 =	vlt.u32 v5, $0x20;
	v5 =	vand.u32 $0x7F, v8;
	v4 =	vor.u32 v6, v4  }
0x22c: {  	v4 =	vor.u32 v5, v4;
	_ =	sdelay $0x4  }
0x22d: {  	s14 =	sadd.s32 s10, s11;
	[tilespmem:v4+s23+$0x0] =	vst.idx.msk vm14, v1  }
0x22e: {  	v4 =	vld [tilespmem:s14+$0x0];
	_ =	sdelay $0x4  }
0x22f: {  	v62 =	vsub.s32 v4, v0  }
0x230: {  	v4 =	vshll.u32 v4, $0x7;
	v63 =	vshll.u32 v62, $0x9  }
0x231: {  	v4 =	vand.u32 $0x380, v4;
	v8 =	vand.u32 $0xFFFFF000, v63  }
0x232: {  	v4 =	vor.u32 v8, v4  }
0x233: {  	vm15 =	vlt.u32 v62, $0x20;
	v4 =	vor.u32 v6, v4  }
0x234: {  	s0 =	sadd.s32 $0x1, s0;
	v4 =	vor.u32 v5, v4  }
0x235: {  	p0 =	sne.s32 s0, $0x4  }
.Ltmp14:
0x236: {  	s2 =	sshll.u32 s2, $0xC;
	(pc) =	sbr.rel @p0 .LBB2_18-.Ltmp14, $4  }
0x237: {  	s2 =	sadd.s32 s5, s2  }
0x238: {  	s2 =	sshrl.u32 s2, $0x3  }
0x239: {  	s2 =	sadd.s32 s3, s2;
	[tilespmem:v4+s23+$0x0] =	vst.idx.msk vm15, v3  }
0x23a: {  	[hbm4b:s2+s17] =	stream.strided.scatter [tilespmem:s23], [sflag:$0x6], $0x4000, s18, s17, $0x38;
	[tilespmem:$0x1C000] =	vst v63  }
0x23b: {  	_ =	swait.ge [sflag:s24], $0x4000  }
0x23c: {  	[sflag:s24] =	ssyncset.done $0x0  }
0x23d: {  	s0 =	simm.s32 $0x0;
	[sflag:s24] =	ssyncadd.s32 $0xFFFFC000  }
.LBB2_32:
0x23e: {  	s1 =	sand.u32 $0x1F0, s0  }
0x23f: {  	v4 =	vld [tilespmem:s1+$0x3000];
	_ =	sdelay $0x4  }
0x240: {  	v5 =	vsub.s32 v4, v0  }
0x241: {  	v6 =	vmov s0;
	v4 =	vshll.u32 v4, $0x7;
	v7 =	vshll.u32 v5, $0x9  }
0x242: {  	v6 =	vshll.u32 v6, $0x3;
	v4 =	vand.u32 $0x380, v4;
	v7 =	vand.u32 $0xFFFFF000, v7  }
0x243: {  	v8 =	vor.u32 s0, v2;
	v6 =	vand.u32 $0xC00, v6;
	v4 =	vor.u32 v7, v4  }
0x244: {  	vm0 =	vlt.u32 v5, $0x20;
	v5 =	vand.u32 $0x7F, v8;
	v4 =	vor.u32 v6, v4  }
0x245: {  	v4 =	vor.u32 v5, v4;
	_ =	sdelay $0x4  }
0x246: {  	[tilespmem:v4+s16+$0x0] =	vst.idx.msk vm0, v1  }
0x247: {  	v4 =	vld [tilespmem:s1+$0x3C00];
	_ =	sdelay $0x4  }
0x248: {  	v62 =	vsub.s32 v4, v0  }
0x249: {  	v4 =	vshll.u32 v4, $0x7;
	v63 =	vshll.u32 v62, $0x9  }
0x24a: {  	v4 =	vand.u32 $0x380, v4;
	v8 =	vand.u32 $0xFFFFF000, v63  }
0x24b: {  	v4 =	vor.u32 v8, v4  }
0x24c: {  	vm15 =	vlt.u32 v62, $0x20;
	v4 =	vor.u32 v6, v4  }
0x24d: {  	p0 =	sne.s32 s0, $0x1F0;
	v4 =	vor.u32 v5, v4  }
.Ltmp15:
0x24e: {  	_ = 	snop;
	(pc) =	sbr.rel @p0 .LBB2_32-.Ltmp15, $2  }
0x24f: {  	_ =	sdelay $0x2  }
0x250: {  	s0 =	sadd.s32 $0x10, s0;
	[tilespmem:v4+s16+$0x0] =	vst.idx.msk vm15, v3  }
0x251: {  	s0 =	rddreg [dreg:$0x9]  }
0x252: {  	[hbm4b:s0+s17] =	stream.strided.scatter [tilespmem:s16], [sflag:$0x1], $0x4000, s18, s17, $0x38;
	[tilespmem:$0x1C000] =	vst v63  }
0x253: {  	_ =	swait.ge [sflag:s25], $0x4000  }
0x254: {  	[sflag:s25] =	ssyncset.done $0x0  }
0x255: {  	s0 =	simm.s32 $0x0;
	[sflag:s25] =	ssyncadd.s32 $0xFFFFC000  }
.LBB2_34:
0x256: {  	s1 =	sand.u32 $0x1F0, s0  }
0x257: {  	v4 =	vld [tilespmem:s1+$0x3200];
	_ =	sdelay $0x4  }
0x258: {  	v5 =	vsub.s32 v4, v0  }
0x259: {  	v6 =	vmov s0;
	v4 =	vshll.u32 v4, $0x7;
	v7 =	vshll.u32 v5, $0x9  }
0x25a: {  	v6 =	vshll.u32 v6, $0x3;
	v4 =	vand.u32 $0x380, v4;
	v7 =	vand.u32 $0xFFFFF000, v7  }
0x25b: {  	v8 =	vor.u32 s0, v2;
	v6 =	vand.u32 $0xC00, v6;
	v4 =	vor.u32 v7, v4  }
0x25c: {  	vm0 =	vlt.u32 v5, $0x20;
	v5 =	vand.u32 $0x7F, v8;
	v4 =	vor.u32 v6, v4  }
0x25d: {  	v4 =	vor.u32 v5, v4;
	_ =	sdelay $0x4  }
0x25e: {  	[tilespmem:v4+s19+$0x0] =	vst.idx.msk vm0, v1  }
0x25f: {  	v4 =	vld [tilespmem:s1+$0x3E00];
	_ =	sdelay $0x4  }
0x260: {  	v62 =	vsub.s32 v4, v0  }
0x261: {  	v4 =	vshll.u32 v4, $0x7;
	v63 =	vshll.u32 v62, $0x9  }
0x262: {  	v4 =	vand.u32 $0x380, v4;
	v8 =	vand.u32 $0xFFFFF000, v63  }
0x263: {  	v4 =	vor.u32 v8, v4  }
0x264: {  	vm15 =	vlt.u32 v62, $0x20;
	v4 =	vor.u32 v6, v4  }
0x265: {  	p0 =	sne.s32 s0, $0x1F0;
	v4 =	vor.u32 v5, v4  }
.Ltmp16:
0x266: {  	_ = 	snop;
	(pc) =	sbr.rel @p0 .LBB2_34-.Ltmp16, $2  }
0x267: {  	_ =	sdelay $0x2  }
0x268: {  	s0 =	sadd.s32 $0x10, s0;
	[tilespmem:v4+s19+$0x0] =	vst.idx.msk vm15, v3  }
0x269: {  	s0 =	rddreg [dreg:$0xa]  }
0x26a: {  	[hbm4b:s0+s17] =	stream.strided.scatter [tilespmem:s19], [sflag:$0x2], $0x4000, s18, s17, $0x38;
	[tilespmem:$0x1C000] =	vst v63  }
0x26b: {  	_ =	swait.ge [sflag:s24], $0x4000  }
0x26c: {  	[sflag:s24] =	ssyncset.done $0x0  }
0x26d: {  	[sflag:s24] =	ssyncadd.s32 $0xFFFFC000  }
0x26e: {  	_ =	swait.ge [sflag:s25], $0x4000  }
0x26f: {  	[sflag:s25] =	ssyncset.done $0x0  }
0x270: {  	[sflag:s25] =	ssyncadd.s32 $0xFFFFC000  }
0x271: {  	_ =	swait.ge [sflag:s26], $0x4000  }
0x272: {  	[sflag:s26] =	ssyncset.done $0x0  }
0x273: {  	[sflag:s26] =	ssyncadd.s32 $0xFFFFC000  }
0x274: {  	_ =	swait.ge [sflag:s28], $0x4000  }
0x275: {  	[sflag:s28] =	ssyncset.done $0x0  }
0x276: {  	[sflag:s28] =	ssyncadd.s32 $0xFFFFC000  }
0x277: {  	_ =	swait.ge [sflag:s29], $0x4000  }
0x278: {  	[sflag:s29] =	ssyncset.done $0x0  }
0x279: {  	[sflag:s29] =	ssyncadd.s32 $0xFFFFC000  }
0x27a: {  	_ =	swait.ge [sflag:s30], $0x4000  }
0x27b: {  	s31 =	sadd.s32 $0x1, s31;
	s14 =	rddreg [dreg:$0xb]  }
0x27c: {  	p0 =	sne.s32 s31, s14  }
.Ltmp17:
0x27d: {  	_ = 	snop;
	(pc) =	sbr.rel @p0 .LBB2_1-.Ltmp17, $3  }
0x27e: {  	_ =	sdelay $0x1  }
0x27f: {  	[sflag:s30] =	ssyncset.done $0x0  }
0x280: {  	[sflag:s30] =	ssyncadd.s32 $0xFFFFC000  }
0x281: {  	_ =	sfence.sel $0x180000  }
0x282: {  	[bflag:$0x0] =	sbarrier.arrive $0xFFFF  }
0x283: {  	_ =	strace $0x90000047  }
0x284: {  	s0 =	stileid.u32;
	[bflag:$0x2] =	sbarrier.arrive $0xFFFF  }
0x285: {  	p0 =	sne.s32 s0, $0x0;
	s0 =	rddreg [dreg:$0x2]  }
0x286: {  	s0 =	sadd.s32 @!p0 $0x100000, s0  }
0x287: {  	[sflag:s0] =	ssyncadd.tile.s32 @!p0 $0x1;
	_ =	shalt  }
.Lfunc_end2:
_tile_overlayer_lowered:
.L_overlay_start_2:
0x288: {  	(tag) =	ssettag $0x2  }
0x289: {  	s0 =	rddreg [dreg:$0x0];
	s2 =	stileid.u32  }
0x28a: {  	s1 =	rddreg [dreg:$0x1];
	p0 =	sne.s32 s2, $0x0  }
0x28b: {  	s3 =	rddreg [dreg:$0x2];
	[bflag:$0x3] =	sbarrier.arrive $0xFFFF;
	s2 =	simm.s32 @!p0 $0x1C08  }
0x28c: {  	[timem:s3], [sflag:s2] =	dma.local @!p0 [hbm:s0], s1  }
0x28d: {  	s0 =	simm.s32 @!p0 $0x8  }
0x28e: {  	_ =	swait.ge @!p0 [sflag:s0], s1  }
0x28f: {  	s1 =	ssub.s32 @!p0 $0x0, s1;
	[sflag:s0] =	ssyncset.done @!p0 $0x0  }
0x290: {  	[sflag:s0] =	ssyncadd.s32 @!p0 s1  }
0x291: {  	[bflag:$0x3] =	sbarrier.arrive $0xFFFF  }
0x292: {  	_ =	shalt  }

</sc_bundles>
